<compile_context>
chip_gen: v7x
topology: tpu7x:2x2x1
jax: 0.10.2.dev20260603
libtpu: 0.0.44.dev20260713+nightly
codegen_flags: <defaults>
</compile_context>

<pallas_src>
import jax
import jax.numpy as jnp
from jax import lax
from jax.experimental import pallas as pl
from jax.experimental.pallas import tpu as pltpu
from jax.experimental.pallas import tpu_sc as plsc

_EPS = 1e-08
N = 10000
E = 320000
D = 128

NC = 2
NS = 16
NW = NC * NS
E_PER_TILE = E // NW
K = 80
NCHUNK = E_PER_TILE // K
RB = 3
N_PAD = 10240
ACC_ROWS = N_PAD // NS
HIST_PER_TILE = N_PAD // NS

BLK = 2000


def _sc_scatter(row, col, h):
  mesh = plsc.VectorSubcoreMesh(core_axis_name="c", subcore_axis_name="s",
                                num_cores=NC, num_subcores=NS)

  def body(row_hbm, col_hbm, h_hbm, s_hbm, cnt_hbm,
           idxc, idxr0, idxr1, idxr2, rows0, rows1, rows2, ones_v, zhist,
           acc_sh, hist_sh, semg0, semg1, semg2,
           semi0, semi1, semi2, semo):
    idxr = (idxr0, idxr1, idxr2)
    rows = (rows0, rows1, rows2)
    semg = (semg0, semg1, semg2)
    semi = (semi0, semi1, semi2)
    cid = lax.axis_index("c")
    sid = lax.axis_index("s")
    wid = sid * NC + cid
    base0 = wid * E_PER_TILE

    zeros16 = jnp.zeros((16,), jnp.float32)
    ones16 = jnp.ones((16,), jnp.float32)

    @pl.loop(0, K)
    def _zero_rows0(i):
      for j in range(D // 16):
        rows0[i, pl.ds(j * 16, 16)] = zeros16

    for j in range(HIST_PER_TILE // 16):
      zhist[pl.ds(j * 16, 16)] = zeros16
    for j in range(K // 16):
      ones_v[pl.ds(j * 16, 16)] = ones16

    for r in range(ACC_ROWS // K):
      pltpu.async_copy(rows0,
                       acc_sh.at[pl.ds(sid * ACC_ROWS + r * K, K)], semo)
    pltpu.async_copy(zhist, hist_sh.at[pl.ds(sid * HIST_PER_TILE,
                                             HIST_PER_TILE)], semo)

    pltpu.sync_copy(col_hbm.at[pl.ds(base0, E_PER_TILE)], idxc)

    for b in range(RB - 1):
      pltpu.async_copy(row_hbm.at[pl.ds(base0 + b * K, K)], idxr[b], semi[b])

    for r in range(ACC_ROWS // K):
      pltpu.make_async_copy(rows0,
                            acc_sh.at[pl.ds(sid * ACC_ROWS + r * K, K)],
                            semo).wait()
    pltpu.make_async_copy(zhist, hist_sh.at[pl.ds(sid * HIST_PER_TILE,
                                                  HIST_PER_TILE)],
                          semo).wait()

    for b in range(RB - 1):
      pltpu.async_copy(h_hbm.at[idxc.at[pl.ds(b * K, K)]], rows[b], semg[b])

    plsc.subcore_barrier()

    NMAIN = (NCHUNK // RB) * RB

    @pl.loop(0, NMAIN, step=RB)
    def _chunk(p):
      for b in range(RB):
        c = p + b
        nb = (b + RB - 1) % RB

        @pl.when(c > 0)
        def _drain_ones():
          pltpu.make_async_copy(ones_v, hist_sh.at[idxr[nb]], semo).wait()

        nxt = c + RB - 1
        pltpu.async_copy(row_hbm.at[pl.ds(base0 + nxt * K, K)],
                         idxr[nb], semi[nb])
        pltpu.async_copy(h_hbm.at[idxc.at[pl.ds(nxt * K, K)]], rows[nb],
                         semg[nb])
        pltpu.make_async_copy(row_hbm.at[pl.ds(base0 + c * K, K)],
                              idxr[b], semi[b]).wait()
        pltpu.make_async_copy(h_hbm.at[idxc.at[pl.ds(c * K, K)]], rows[b],
                              semg[b]).wait()
        pltpu.async_copy(ones_v, hist_sh.at[idxr[b]], semo, add=True)
        pltpu.sync_copy(rows[b], acc_sh.at[idxr[b]], add=True)

    for c in range(NMAIN, NCHUNK):
      b = c % RB
      nb = (b + RB - 1) % RB
      pltpu.make_async_copy(ones_v, hist_sh.at[idxr[nb]], semo).wait()
      pltpu.make_async_copy(row_hbm.at[pl.ds(base0 + c * K, K)],
                            idxr[b], semi[b]).wait()
      pltpu.make_async_copy(h_hbm.at[idxc.at[pl.ds(c * K, K)]], rows[b],
                              semg[b]).wait()
      pltpu.async_copy(ones_v, hist_sh.at[idxr[b]], semo, add=True)
      pltpu.sync_copy(rows[b], acc_sh.at[idxr[b]], add=True)

    pltpu.make_async_copy(ones_v, hist_sh.at[idxr[(NCHUNK - 1) % RB]],
                          semo).wait()

    plsc.subcore_barrier()
    pltpu.sync_copy(acc_sh.at[pl.ds(sid * ACC_ROWS, ACC_ROWS)],
                    s_hbm.at[cid].at[pl.ds(sid * ACC_ROWS, ACC_ROWS)])
    pltpu.sync_copy(hist_sh.at[pl.ds(sid * HIST_PER_TILE, HIST_PER_TILE)],
                    cnt_hbm.at[cid].at[pl.ds(sid * HIST_PER_TILE,
                                             HIST_PER_TILE)])

  run = pl.kernel(
      body,
      out_type=(
          jax.ShapeDtypeStruct((NC, N_PAD, D), jnp.float32),
          jax.ShapeDtypeStruct((NC, N_PAD), jnp.float32),
      ),
      mesh=mesh,
      scratch_types=(
          [pltpu.VMEM((E_PER_TILE,), jnp.int32)]
          + [pltpu.VMEM((K,), jnp.int32) for _ in range(RB)]
          + [pltpu.VMEM((K, D), jnp.float32) for _ in range(RB)]
          + [pltpu.VMEM((K,), jnp.float32),
             pltpu.VMEM((HIST_PER_TILE,), jnp.float32),
             pltpu.VMEM_SHARED((N_PAD, D), jnp.float32),
             pltpu.VMEM_SHARED((N_PAD,), jnp.float32)]
          + [pltpu.SemaphoreType.DMA for _ in range(2 * RB + 1)]
      ),
  )
  return run(row, col, h)


def _mm_t(x, w):
  return lax.dot_general(x, w, (((1,), (1,)), ((), ())),
                         preferred_element_type=jnp.float32)


def _tc_h(x, fc_w, fc_b):
  def body(x_ref, w_ref, b_ref, o_ref):
    o_ref[...] = _mm_t(x_ref[...], w_ref[...]) + b_ref[...]

  return pl.pallas_call(
      body,
      grid=(N // BLK,),
      in_specs=[
          pl.BlockSpec((BLK, D), lambda i: (i, 0)),
          pl.BlockSpec((D, D), lambda i: (0, 0)),
          pl.BlockSpec((1, D), lambda i: (0, 0)),
      ],
      out_specs=pl.BlockSpec((BLK, D), lambda i: (i, 0)),
      out_shape=jax.ShapeDtypeStruct((N, D), jnp.float32),
  )(x, fc_w, fc_b)


def _tc_combine(x, h, s_part, cnt0, cnt1, degree,
                dir_wt, dir_b, neu_wt, neu_b, rob_wt, rob_b):
  def body(x_ref, h_ref, s0_ref, s1_ref, c0_ref, c1_ref, deg_ref,
           dw_ref, db_ref, nw_ref, nb_ref, rw_ref, rb_ref, o_ref):
    xb = x_ref[...]
    alpha = jnp.maximum(_mm_t(xb, dw_ref[...]) + db_ref[...], 0.0)
    beta = jnp.maximum(_mm_t(xb, nw_ref[...]) + nb_ref[...], 0.0)
    gamma = _mm_t(xb, rw_ref[...]) + rb_ref[...]
    cnt = c0_ref[...] + c1_ref[...]
    agg = cnt * h_ref[...] + s0_ref[0] + s1_ref[0]
    o_ref[...] = (beta * agg + gamma) / (alpha + beta * deg_ref[...] + _EPS)

  row_spec = pl.BlockSpec((BLK, D), lambda i: (i, 0))
  s0_spec = pl.BlockSpec((1, BLK, D), lambda i: (0, i, 0))
  s1_spec = pl.BlockSpec((1, BLK, D), lambda i: (1, i, 0))
  col1_spec = pl.BlockSpec((BLK, 1), lambda i: (i, 0))
  w_spec = pl.BlockSpec((D, D), lambda i: (0, 0))
  b_spec = pl.BlockSpec((1, D), lambda i: (0, 0))
  return pl.pallas_call(
      body,
      grid=(N // BLK,),
      in_specs=[row_spec, row_spec, s0_spec, s1_spec,
                col1_spec, col1_spec, col1_spec,
                w_spec, b_spec, w_spec, b_spec, w_spec, b_spec],
      out_specs=row_spec,
      out_shape=jax.ShapeDtypeStruct((N, D), jnp.float32),
  )(x, h, s_part, s_part, cnt0, cnt1, degree,
    dir_wt, dir_b, neu_wt, neu_b, rob_wt, rob_b)


def kernel(x, edge_index, degree, fc_w, fc_b,
           dir_w, dir_b, neu_w, neu_b, rob_w, rob_b):
  ei = edge_index.astype(jnp.int32)
  row = ei[0]
  col = ei[1]
  h = _tc_h(x, fc_w, fc_b.reshape(1, D))
  s_part, cnt_part = _sc_scatter(row, col, h)
  cnt0 = cnt_part[0, :N].reshape(N, 1)
  cnt1 = cnt_part[1, :N].reshape(N, 1)
  return _tc_combine(x, h, s_part, cnt0, cnt1, degree,
                     dir_w, dir_b.reshape(1, D),
                     neu_w, neu_b.reshape(1, D),
                     rob_w, rob_b.reshape(1, D))

# --- scband reference (transcript-rebuilt; emitter-appended) ---
"""Pipeline reference for scband-boundary-conv-layer-7619271983310 (READ-ONLY COPY).

The authoritative reference and input builder live on the scoring server;
editing this copy changes nothing except your own understanding.
"""

import jax, jax.numpy as jnp
import numpy as np

EPS = 1e-08
N_NODES = 10000
N_EDGES = 320000
IN_DIM = 128
OUT_DIM = 128


def setup_inputs(seed: int = 0) -> dict:
    key = jax.random.key(seed)
    ks = jax.random.split(key, 12)
    x = jax.random.normal(ks[0], (N_NODES, IN_DIM), dtype=jnp.float32)
    edge_index = jax.random.randint(ks[1], (2, N_EDGES), 0, N_NODES, dtype=jnp.int64)
    degree = jax.random.uniform(ks[2], (N_NODES, 1), dtype=jnp.float32)
    s = 1.0 / np.sqrt(IN_DIM)
    fc_w = jax.random.uniform(ks[3], (OUT_DIM, IN_DIM), dtype=jnp.float32, minval=-s, maxval=s)
    fc_b = jax.random.uniform(ks[4], (OUT_DIM,), dtype=jnp.float32, minval=-s, maxval=s)
    dir_w = jax.random.uniform(ks[5], (OUT_DIM, IN_DIM), dtype=jnp.float32, minval=-s, maxval=s)
    dir_b = jax.random.uniform(ks[6], (OUT_DIM,), dtype=jnp.float32, minval=-s, maxval=s)
    neu_w = jax.random.uniform(ks[7], (OUT_DIM, IN_DIM), dtype=jnp.float32, minval=-s, maxval=s)
    neu_b = jax.random.uniform(ks[8], (OUT_DIM,), dtype=jnp.float32, minval=-s, maxval=s)
    rob_w = jax.random.uniform(ks[9], (OUT_DIM, IN_DIM), dtype=jnp.float32, minval=-s, maxval=s)
    rob_b = jax.random.uniform(ks[10], (OUT_DIM,), dtype=jnp.float32, minval=-s, maxval=s)
    return {
        "x": x,
        "edge_index": edge_index,
        "degree": degree,
        "fc_w": fc_w,
        "fc_b": fc_b,
        "dir_w": dir_w,
        "dir_b": dir_b,
        "neu_w": neu_w,
        "neu_b": neu_b,
        "rob_w": rob_w,
        "rob_b": rob_b,
    }


def reference(x, edge_index, degree, fc_w, fc_b, dir_w, dir_b, neu_w, neu_b, rob_w, rob_b):
    alpha = jax.nn.relu(x @ dir_w.T + dir_b)
    beta = jax.nn.relu(x @ neu_w.T + neu_b)
    gamma = x @ rob_w.T + rob_b
    h = x @ fc_w.T + fc_b
    row = edge_index[0]
    col = edge_index[1]
    msg = h[row] + h[col]
    agg = jax.ops.segment_sum(msg, row, num_segments=N_NODES)
    out = (beta * agg + gamma) / (alpha + beta * degree + EPS)
    # act is Identity (act=None)
    return out

if __name__ == "__main__":
    import jax
    _d = setup_inputs()
    print(jax.jit(kernel)(*tuple(_d.values())))

</pallas_src>

<mosaic_0001>
#map = affine_map<(d0, d1) -> (0)>
#map1 = affine_map<(d0, d1) -> (0, 0)>
#map2 = affine_map<(d0, d1) -> (0, 0, 0)>
module attributes {stable_mosaic.version = 14 : i64} {
  func.func @body(%arg0: i32, %arg1: i32, %arg2: memref<320000xi32, #tpu.memory_space<hbm>>, %arg3: memref<320000xi32, #tpu.memory_space<hbm>>, %arg4: memref<10000x128xf32, #tpu.memory_space<hbm>>, %arg5: memref<2x10240x128xf32, #tpu.memory_space<hbm>>, %arg6: memref<2x10240xf32, #tpu.memory_space<hbm>>, %arg7: memref<10000xi32, #tpu.memory_space<vmem>>, %arg8: memref<80xi32, #tpu.memory_space<vmem>>, %arg9: memref<80xi32, #tpu.memory_space<vmem>>, %arg10: memref<80xi32, #tpu.memory_space<vmem>>, %arg11: memref<80x128xf32, #tpu.memory_space<vmem>>, %arg12: memref<80x128xf32, #tpu.memory_space<vmem>>, %arg13: memref<80x128xf32, #tpu.memory_space<vmem>>, %arg14: memref<80xf32, #tpu.memory_space<vmem>>, %arg15: memref<640xf32, #tpu.memory_space<vmem>>, %arg16: memref<10240x128xf32, #tpu.memory_space<vmem_shared>>, %arg17: memref<10240xf32, #tpu.memory_space<vmem_shared>>, %arg18: memref<!tpu.dma_semaphore, #tpu.memory_space<semaphore_mem>>, %arg19: memref<!tpu.dma_semaphore, #tpu.memory_space<semaphore_mem>>, %arg20: memref<!tpu.dma_semaphore, #tpu.memory_space<semaphore_mem>>, %arg21: memref<!tpu.dma_semaphore, #tpu.memory_space<semaphore_mem>>, %arg22: memref<!tpu.dma_semaphore, #tpu.memory_space<semaphore_mem>>, %arg23: memref<!tpu.dma_semaphore, #tpu.memory_space<semaphore_mem>>, %arg24: memref<!tpu.dma_semaphore, #tpu.memory_space<semaphore_mem>>) attributes {dimension_semantics = [#tpu.dimension_semantics<core_parallel>, #tpu.dimension_semantics<subcore_parallel>], iteration_bounds = array<i64: 2, 16>, scalar_prefetch = 0 : i64, scratch_operands = 18 : i64, tpu.core_type = #tpu.core_type<sc_vector_subcore>, window_params = [{transform_indices = #map}, {transform_indices = #map}, {transform_indices = #map1}, {transform_indices = #map2}, {transform_indices = #map1}]} {
    %mul3A = arith.constant 2 : i32
    %mul3A_0 = arith.muli %arg1, %mul3A : i32
    %add3A = arith.addi %mul3A_0, %arg0 : i32
    %mul3A_1 = arith.constant 10000 : i32
    %mul3A_2 = arith.muli %add3A, %mul3A_1 : i32
    %broadcast_in_dim3A = arith.constant 0.000000e+00 : f32
    %broadcast_in_dim3A_3 = vector.broadcast %broadcast_in_dim3A : f32 to vector<16xf32>
    %broadcast_in_dim3A_4 = arith.constant 1.000000e+00 : f32
    %broadcast_in_dim3A_5 = vector.broadcast %broadcast_in_dim3A_4 : f32 to vector<16xf32>
    %scan3A = arith.constant 0 : i32
    %scan3A_6 = arith.constant 80 : i32
    %scan3A_7 = arith.addi %scan3A, %scan3A_6 : i32
    %scan3A_8 = arith.constant 1 : i32
    scf.for %scan3A_383 = %scan3A to %scan3A_7 step %scan3A_8  : i32 {
      %mul3A_384 = arith.constant 1 : i32
      %mul3A_385 = arith.muli %scan3A_383, %mul3A_384 : i32
      %add3A_386 = arith.constant 0 : i32
      %add3A_387 = arith.addi %add3A_386, %mul3A_385 : i32
      %swap3A_388 = arith.index_cast %add3A_387 : i32 to index
      %swap3A_389 = arith.constant 0 : index
      %swap3A_390 = tpu.vector_load %arg11[%swap3A_388, %swap3A_389] {strides = array<i32>} : memref<80x128xf32, #tpu.memory_space<vmem>>, vector<1x16xf32>,
      %swap3A_391 = vector.shape_cast %swap3A_390 : vector<1x16xf32> to vector<16xf32>
      %swap3A_392 = vector.shape_cast %broadcast_in_dim3A_3 : vector<16xf32> to vector<1x16xf32>
      tpu.vector_store %arg11[%swap3A_388, %swap3A_389], %swap3A_392 {strides = array<i32>} : memref<80x128xf32, #tpu.memory_space<vmem>>, vector<1x16xf32>,
      %swap3A_393 = arith.index_cast %add3A_387 : i32 to index
      %swap3A_394 = arith.constant 16 : index
      %swap3A_395 = tpu.vector_load %arg11[%swap3A_393, %swap3A_394] {strides = array<i32>} : memref<80x128xf32, #tpu.memory_space<vmem>>, vector<1x16xf32>,
      %swap3A_396 = vector.shape_cast %swap3A_395 : vector<1x16xf32> to vector<16xf32>
      %swap3A_397 = vector.shape_cast %broadcast_in_dim3A_3 : vector<16xf32> to vector<1x16xf32>
      tpu.vector_store %arg11[%swap3A_393, %swap3A_394], %swap3A_397 {strides = array<i32>} : memref<80x128xf32, #tpu.memory_space<vmem>>, vector<1x16xf32>,
      %swap3A_398 = arith.index_cast %add3A_387 : i32 to index
      %swap3A_399 = arith.constant 32 : index
      %swap3A_400 = tpu.vector_load %arg11[%swap3A_398, %swap3A_399] {strides = array<i32>} : memref<80x128xf32, #tpu.memory_space<vmem>>, vector<1x16xf32>,
      %swap3A_401 = vector.shape_cast %swap3A_400 : vector<1x16xf32> to vector<16xf32>
      %swap3A_402 = vector.shape_cast %broadcast_in_dim3A_3 : vector<16xf32> to vector<1x16xf32>
      tpu.vector_store %arg11[%swap3A_398, %swap3A_399], %swap3A_402 {strides = array<i32>} : memref<80x128xf32, #tpu.memory_space<vmem>>, vector<1x16xf32>,
      %swap3A_403 = arith.index_cast %add3A_387 : i32 to index
      %swap3A_404 = arith.constant 48 : index
      %swap3A_405 = tpu.vector_load %arg11[%swap3A_403, %swap3A_404] {strides = array<i32>} : memref<80x128xf32, #tpu.memory_space<vmem>>, vector<1x16xf32>,
      %swap3A_406 = vector.shape_cast %swap3A_405 : vector<1x16xf32> to vector<16xf32>
      %swap3A_407 = vector.shape_cast %broadcast_in_dim3A_3 : vector<16xf32> to vector<1x16xf32>
      tpu.vector_store %arg11[%swap3A_403, %swap3A_404], %swap3A_407 {strides = array<i32>} : memref<80x128xf32, #tpu.memory_space<vmem>>, vector<1x16xf32>,
      %swap3A_408 = arith.index_cast %add3A_387 : i32 to index
      %swap3A_409 = arith.constant 64 : index
      %swap3A_410 = tpu.vector_load %arg11[%swap3A_408, %swap3A_409] {strides = array<i32>} : memref<80x128xf32, #tpu.memory_space<vmem>>, vector<1x16xf32>,
      %swap3A_411 = vector.shape_cast %swap3A_410 : vector<1x16xf32> to vector<16xf32>
      %swap3A_412 = vector.shape_cast %broadcast_in_dim3A_3 : vector<16xf32> to vector<1x16xf32>
      tpu.vector_store %arg11[%swap3A_408, %swap3A_409], %swap3A_412 {strides = array<i32>} : memref<80x128xf32, #tpu.memory_space<vmem>>, vector<1x16xf32>,
      %swap3A_413 = arith.index_cast %add3A_387 : i32 to index
      %swap3A_414 = arith.constant 80 : index
      %swap3A_415 = tpu.vector_load %arg11[%swap3A_413, %swap3A_414] {strides = array<i32>} : memref<80x128xf32, #tpu.memory_space<vmem>>, vector<1x16xf32>,
      %swap3A_416 = vector.shape_cast %swap3A_415 : vector<1x16xf32> to vector<16xf32>
      %swap3A_417 = vector.shape_cast %broadcast_in_dim3A_3 : vector<16xf32> to vector<1x16xf32>
      tpu.vector_store %arg11[%swap3A_413, %swap3A_414], %swap3A_417 {strides = array<i32>} : memref<80x128xf32, #tpu.memory_space<vmem>>, vector<1x16xf32>,
      %swap3A_418 = arith.index_cast %add3A_387 : i32 to index
      %swap3A_419 = arith.constant 96 : index
      %swap3A_420 = tpu.vector_load %arg11[%swap3A_418, %swap3A_419] {strides = array<i32>} : memref<80x128xf32, #tpu.memory_space<vmem>>, vector<1x16xf32>,
      %swap3A_421 = vector.shape_cast %swap3A_420 : vector<1x16xf32> to vector<16xf32>
      %swap3A_422 = vector.shape_cast %broadcast_in_dim3A_3 : vector<16xf32> to vector<1x16xf32>
      tpu.vector_store %arg11[%swap3A_418, %swap3A_419], %swap3A_422 {strides = array<i32>} : memref<80x128xf32, #tpu.memory_space<vmem>>, vector<1x16xf32>,
      %swap3A_423 = arith.index_cast %add3A_387 : i32 to index
      %swap3A_424 = arith.constant 112 : index
      %swap3A_425 = tpu.vector_load %arg11[%swap3A_423, %swap3A_424] {strides = array<i32>} : memref<80x128xf32, #tpu.memory_space<vmem>>, vector<1x16xf32>,
      %swap3A_426 = vector.shape_cast %swap3A_425 : vector<1x16xf32> to vector<16xf32>
      %swap3A_427 = vector.shape_cast %broadcast_in_dim3A_3 : vector<16xf32> to vector<1x16xf32>
      tpu.vector_store %arg11[%swap3A_423, %swap3A_424], %swap3A_427 {strides = array<i32>} : memref<80x128xf32, #tpu.memory_space<vmem>>, vector<1x16xf32>,
    }
    %scan3A_9 = arith.constant 80 : i32
    %swap3A = arith.constant 0 : index
    %swap3A_10 = tpu.vector_load %arg15[%swap3A] {strides = array<i32>} : memref<640xf32, #tpu.memory_space<vmem>>, vector<16xf32>,
    %swap3A_11 = vector.shape_cast %swap3A_10 : vector<16xf32> to vector<16xf32>
    %swap3A_12 = vector.shape_cast %broadcast_in_dim3A_3 : vector<16xf32> to vector<16xf32>
    tpu.vector_store %arg15[%swap3A], %swap3A_12 {strides = array<i32>} : memref<640xf32, #tpu.memory_space<vmem>>, vector<16xf32>,
    %swap3A_13 = arith.constant 16 : index
    %swap3A_14 = tpu.vector_load %arg15[%swap3A_13] {strides = array<i32>} : memref<640xf32, #tpu.memory_space<vmem>>, vector<16xf32>,
    %swap3A_15 = vector.shape_cast %swap3A_14 : vector<16xf32> to vector<16xf32>
    %swap3A_16 = vector.shape_cast %broadcast_in_dim3A_3 : vector<16xf32> to vector<16xf32>
    tpu.vector_store %arg15[%swap3A_13], %swap3A_16 {strides = array<i32>} : memref<640xf32, #tpu.memory_space<vmem>>, vector<16xf32>,
    %swap3A_17 = arith.constant 32 : index
    %swap3A_18 = tpu.vector_load %arg15[%swap3A_17] {strides = array<i32>} : memref<640xf32, #tpu.memory_space<vmem>>, vector<16xf32>,
    %swap3A_19 = vector.shape_cast %swap3A_18 : vector<16xf32> to vector<16xf32>
    %swap3A_20 = vector.shape_cast %broadcast_in_dim3A_3 : vector<16xf32> to vector<16xf32>
    tpu.vector_store %arg15[%swap3A_17], %swap3A_20 {strides = array<i32>} : memref<640xf32, #tpu.memory_space<vmem>>, vector<16xf32>,
    %swap3A_21 = arith.constant 48 : index
    %swap3A_22 = tpu.vector_load %arg15[%swap3A_21] {strides = array<i32>} : memref<640xf32, #tpu.memory_space<vmem>>, vector<16xf32>,
    %swap3A_23 = vector.shape_cast %swap3A_22 : vector<16xf32> to vector<16xf32>
    %swap3A_24 = vector.shape_cast %broadcast_in_dim3A_3 : vector<16xf32> to vector<16xf32>
    tpu.vector_store %arg15[%swap3A_21], %swap3A_24 {strides = array<i32>} : memref<640xf32, #tpu.memory_space<vmem>>, vector<16xf32>,
    %swap3A_25 = arith.constant 64 : index
    %swap3A_26 = tpu.vector_load %arg15[%swap3A_25] {strides = array<i32>} : memref<640xf32, #tpu.memory_space<vmem>>, vector<16xf32>,
    %swap3A_27 = vector.shape_cast %swap3A_26 : vector<16xf32> to vector<16xf32>
    %swap3A_28 = vector.shape_cast %broadcast_in_dim3A_3 : vector<16xf32> to vector<16xf32>
    tpu.vector_store %arg15[%swap3A_25], %swap3A_28 {strides = array<i32>} : memref<640xf32, #tpu.memory_space<vmem>>, vector<16xf32>,
    %swap3A_29 = arith.constant 80 : index
    %swap3A_30 = tpu.vector_load %arg15[%swap3A_29] {strides = array<i32>} : memref<640xf32, #tpu.memory_space<vmem>>, vector<16xf32>,
    %swap3A_31 = vector.shape_cast %swap3A_30 : vector<16xf32> to vector<16xf32>
    %swap3A_32 = vector.shape_cast %broadcast_in_dim3A_3 : vector<16xf32> to vector<16xf32>
    tpu.vector_store %arg15[%swap3A_29], %swap3A_32 {strides = array<i32>} : memref<640xf32, #tpu.memory_space<vmem>>, vector<16xf32>,
    %swap3A_33 = arith.constant 96 : index
    %swap3A_34 = tpu.vector_load %arg15[%swap3A_33] {strides = array<i32>} : memref<640xf32, #tpu.memory_space<vmem>>, vector<16xf32>,
    %swap3A_35 = vector.shape_cast %swap3A_34 : vector<16xf32> to vector<16xf32>
    %swap3A_36 = vector.shape_cast %broadcast_in_dim3A_3 : vector<16xf32> to vector<16xf32>
    tpu.vector_store %arg15[%swap3A_33], %swap3A_36 {strides = array<i32>} : memref<640xf32, #tpu.memory_space<vmem>>, vector<16xf32>,
    %swap3A_37 = arith.constant 112 : index
    %swap3A_38 = tpu.vector_load %arg15[%swap3A_37] {strides = array<i32>} : memref<640xf32, #tpu.memory_space<vmem>>, vector<16xf32>,
    %swap3A_39 = vector.shape_cast %swap3A_38 : vector<16xf32> to vector<16xf32>
    %swap3A_40 = vector.shape_cast %broadcast_in_dim3A_3 : vector<16xf32> to vector<16xf32>
    tpu.vector_store %arg15[%swap3A_37], %swap3A_40 {strides = array<i32>} : memref<640xf32, #tpu.memory_space<vmem>>, vector<16xf32>,
    %swap3A_41 = arith.constant 128 : index
    %swap3A_42 = tpu.vector_load %arg15[%swap3A_41] {strides = array<i32>} : memref<640xf32, #tpu.memory_space<vmem>>, vector<16xf32>,
    %swap3A_43 = vector.shape_cast %swap3A_42 : vector<16xf32> to vector<16xf32>
    %swap3A_44 = vector.shape_cast %broadcast_in_dim3A_3 : vector<16xf32> to vector<16xf32>
    tpu.vector_store %arg15[%swap3A_41], %swap3A_44 {strides = array<i32>} : memref<640xf32, #tpu.memory_space<vmem>>, vector<16xf32>,
    %swap3A_45 = arith.constant 144 : index
    %swap3A_46 = tpu.vector_load %arg15[%swap3A_45] {strides = array<i32>} : memref<640xf32, #tpu.memory_space<vmem>>, vector<16xf32>,
    %swap3A_47 = vector.shape_cast %swap3A_46 : vector<16xf32> to vector<16xf32>
    %swap3A_48 = vector.shape_cast %broadcast_in_dim3A_3 : vector<16xf32> to vector<16xf32>
    tpu.vector_store %arg15[%swap3A_45], %swap3A_48 {strides = array<i32>} : memref<640xf32, #tpu.memory_space<vmem>>, vector<16xf32>,
    %swap3A_49 = arith.constant 160 : index
    %swap3A_50 = tpu.vector_load %arg15[%swap3A_49] {strides = array<i32>} : memref<640xf32, #tpu.memory_space<vmem>>, vector<16xf32>,
    %swap3A_51 = vector.shape_cast %swap3A_50 : vector<16xf32> to vector<16xf32>
    %swap3A_52 = vector.shape_cast %broadcast_in_dim3A_3 : vector<16xf32> to vector<16xf32>
    tpu.vector_store %arg15[%swap3A_49], %swap3A_52 {strides = array<i32>} : memref<640xf32, #tpu.memory_space<vmem>>, vector<16xf32>,
    %swap3A_53 = arith.constant 176 : index
    %swap3A_54 = tpu.vector_load %arg15[%swap3A_53] {strides = array<i32>} : memref<640xf32, #tpu.memory_space<vmem>>, vector<16xf32>,
    %swap3A_55 = vector.shape_cast %swap3A_54 : vector<16xf32> to vector<16xf32>
    %swap3A_56 = vector.shape_cast %broadcast_in_dim3A_3 : vector<16xf32> to vector<16xf32>
    tpu.vector_store %arg15[%swap3A_53], %swap3A_56 {strides = array<i32>} : memref<640xf32, #tpu.memory_space<vmem>>, vector<16xf32>,
    %swap3A_57 = arith.constant 192 : index
    %swap3A_58 = tpu.vector_load %arg15[%swap3A_57] {strides = array<i32>} : memref<640xf32, #tpu.memory_space<vmem>>, vector<16xf32>,
    %swap3A_59 = vector.shape_cast %swap3A_58 : vector<16xf32> to vector<16xf32>
    %swap3A_60 = vector.shape_cast %broadcast_in_dim3A_3 : vector<16xf32> to vector<16xf32>
    tpu.vector_store %arg15[%swap3A_57], %swap3A_60 {strides = array<i32>} : memref<640xf32, #tpu.memory_space<vmem>>, vector<16xf32>,
    %swap3A_61 = arith.constant 208 : index
    %swap3A_62 = tpu.vector_load %arg15[%swap3A_61] {strides = array<i32>} : memref<640xf32, #tpu.memory_space<vmem>>, vector<16xf32>,
    %swap3A_63 = vector.shape_cast %swap3A_62 : vector<16xf32> to vector<16xf32>
    %swap3A_64 = vector.shape_cast %broadcast_in_dim3A_3 : vector<16xf32> to vector<16xf32>
    tpu.vector_store %arg15[%swap3A_61], %swap3A_64 {strides = array<i32>} : memref<640xf32, #tpu.memory_space<vmem>>, vector<16xf32>,
    %swap3A_65 = arith.constant 224 : index
    %swap3A_66 = tpu.vector_load %arg15[%swap3A_65] {strides = array<i32>} : memref<640xf32, #tpu.memory_space<vmem>>, vector<16xf32>,
    %swap3A_67 = vector.shape_cast %swap3A_66 : vector<16xf32> to vector<16xf32>
    %swap3A_68 = vector.shape_cast %broadcast_in_dim3A_3 : vector<16xf32> to vector<16xf32>
    tpu.vector_store %arg15[%swap3A_65], %swap3A_68 {strides = array<i32>} : memref<640xf32, #tpu.memory_space<vmem>>, vector<16xf32>,
    %swap3A_69 = arith.constant 240 : index
    %swap3A_70 = tpu.vector_load %arg15[%swap3A_69] {strides = array<i32>} : memref<640xf32, #tpu.memory_space<vmem>>, vector<16xf32>,
    %swap3A_71 = vector.shape_cast %swap3A_70 : vector<16xf32> to vector<16xf32>
    %swap3A_72 = vector.shape_cast %broadcast_in_dim3A_3 : vector<16xf32> to vector<16xf32>
    tpu.vector_store %arg15[%swap3A_69], %swap3A_72 {strides = array<i32>} : memref<640xf32, #tpu.memory_space<vmem>>, vector<16xf32>,
    %swap3A_73 = arith.constant 256 : index
    %swap3A_74 = tpu.vector_load %arg15[%swap3A_73] {strides = array<i32>} : memref<640xf32, #tpu.memory_space<vmem>>, vector<16xf32>,
    %swap3A_75 = vector.shape_cast %swap3A_74 : vector<16xf32> to vector<16xf32>
    %swap3A_76 = vector.shape_cast %broadcast_in_dim3A_3 : vector<16xf32> to vector<16xf32>
    tpu.vector_store %arg15[%swap3A_73], %swap3A_76 {strides = array<i32>} : memref<640xf32, #tpu.memory_space<vmem>>, vector<16xf32>,
    %swap3A_77 = arith.constant 272 : index
    %swap3A_78 = tpu.vector_load %arg15[%swap3A_77] {strides = array<i32>} : memref<640xf32, #tpu.memory_space<vmem>>, vector<16xf32>,
    %swap3A_79 = vector.shape_cast %swap3A_78 : vector<16xf32> to vector<16xf32>
    %swap3A_80 = vector.shape_cast %broadcast_in_dim3A_3 : vector<16xf32> to vector<16xf32>
    tpu.vector_store %arg15[%swap3A_77], %swap3A_80 {strides = array<i32>} : memref<640xf32, #tpu.memory_space<vmem>>, vector<16xf32>,
    %swap3A_81 = arith.constant 288 : index
    %swap3A_82 = tpu.vector_load %arg15[%swap3A_81] {strides = array<i32>} : memref<640xf32, #tpu.memory_space<vmem>>, vector<16xf32>,
    %swap3A_83 = vector.shape_cast %swap3A_82 : vector<16xf32> to vector<16xf32>
    %swap3A_84 = vector.shape_cast %broadcast_in_dim3A_3 : vector<16xf32> to vector<16xf32>
    tpu.vector_store %arg15[%swap3A_81], %swap3A_84 {strides = array<i32>} : memref<640xf32, #tpu.memory_space<vmem>>, vector<16xf32>,
    %swap3A_85 = arith.constant 304 : index
    %swap3A_86 = tpu.vector_load %arg15[%swap3A_85] {strides = array<i32>} : memref<640xf32, #tpu.memory_space<vmem>>, vector<16xf32>,
    %swap3A_87 = vector.shape_cast %swap3A_86 : vector<16xf32> to vector<16xf32>
    %swap3A_88 = vector.shape_cast %broadcast_in_dim3A_3 : vector<16xf32> to vector<16xf32>
    tpu.vector_store %arg15[%swap3A_85], %swap3A_88 {strides = array<i32>} : memref<640xf32, #tpu.memory_space<vmem>>, vector<16xf32>,
    %swap3A_89 = arith.constant 320 : index
    %swap3A_90 = tpu.vector_load %arg15[%swap3A_89] {strides = array<i32>} : memref<640xf32, #tpu.memory_space<vmem>>, vector<16xf32>,
    %swap3A_91 = vector.shape_cast %swap3A_90 : vector<16xf32> to vector<16xf32>
    %swap3A_92 = vector.shape_cast %broadcast_in_dim3A_3 : vector<16xf32> to vector<16xf32>
    tpu.vector_store %arg15[%swap3A_89], %swap3A_92 {strides = array<i32>} : memref<640xf32, #tpu.memory_space<vmem>>, vector<16xf32>,
    %swap3A_93 = arith.constant 336 : index
    %swap3A_94 = tpu.vector_load %arg15[%swap3A_93] {strides = array<i32>} : memref<640xf32, #tpu.memory_space<vmem>>, vector<16xf32>,
    %swap3A_95 = vector.shape_cast %swap3A_94 : vector<16xf32> to vector<16xf32>
    %swap3A_96 = vector.shape_cast %broadcast_in_dim3A_3 : vector<16xf32> to vector<16xf32>
    tpu.vector_store %arg15[%swap3A_93], %swap3A_96 {strides = array<i32>} : memref<640xf32, #tpu.memory_space<vmem>>, vector<16xf32>,
    %swap3A_97 = arith.constant 352 : index
    %swap3A_98 = tpu.vector_load %arg15[%swap3A_97] {strides = array<i32>} : memref<640xf32, #tpu.memory_space<vmem>>, vector<16xf32>,
    %swap3A_99 = vector.shape_cast %swap3A_98 : vector<16xf32> to vector<16xf32>
    %swap3A_100 = vector.shape_cast %broadcast_in_dim3A_3 : vector<16xf32> to vector<16xf32>
    tpu.vector_store %arg15[%swap3A_97], %swap3A_100 {strides = array<i32>} : memref<640xf32, #tpu.memory_space<vmem>>, vector<16xf32>,
    %swap3A_101 = arith.constant 368 : index
    %swap3A_102 = tpu.vector_load %arg15[%swap3A_101] {strides = array<i32>} : memref<640xf32, #tpu.memory_space<vmem>>, vector<16xf32>,
    %swap3A_103 = vector.shape_cast %swap3A_102 : vector<16xf32> to vector<16xf32>
    %swap3A_104 = vector.shape_cast %broadcast_in_dim3A_3 : vector<16xf32> to vector<16xf32>
    tpu.vector_store %arg15[%swap3A_101], %swap3A_104 {strides = array<i32>} : memref<640xf32, #tpu.memory_space<vmem>>, vector<16xf32>,
    %swap3A_105 = arith.constant 384 : index
    %swap3A_106 = tpu.vector_load %arg15[%swap3A_105] {strides = array<i32>} : memref<640xf32, #tpu.memory_space<vmem>>, vector<16xf32>,
    %swap3A_107 = vector.shape_cast %swap3A_106 : vector<16xf32> to vector<16xf32>
    %swap3A_108 = vector.shape_cast %broadcast_in_dim3A_3 : vector<16xf32> to vector<16xf32>
    tpu.vector_store %arg15[%swap3A_105], %swap3A_108 {strides = array<i32>} : memref<640xf32, #tpu.memory_space<vmem>>, vector<16xf32>,
    %swap3A_109 = arith.constant 400 : index
    %swap3A_110 = tpu.vector_load %arg15[%swap3A_109] {strides = array<i32>} : memref<640xf32, #tpu.memory_space<vmem>>, vector<16xf32>,
    %swap3A_111 = vector.shape_cast %swap3A_110 : vector<16xf32> to vector<16xf32>
    %swap3A_112 = vector.shape_cast %broadcast_in_dim3A_3 : vector<16xf32> to vector<16xf32>
    tpu.vector_store %arg15[%swap3A_109], %swap3A_112 {strides = array<i32>} : memref<640xf32, #tpu.memory_space<vmem>>, vector<16xf32>,
    %swap3A_113 = arith.constant 416 : index
    %swap3A_114 = tpu.vector_load %arg15[%swap3A_113] {strides = array<i32>} : memref<640xf32, #tpu.memory_space<vmem>>, vector<16xf32>,
    %swap3A_115 = vector.shape_cast %swap3A_114 : vector<16xf32> to vector<16xf32>
    %swap3A_116 = vector.shape_cast %broadcast_in_dim3A_3 : vector<16xf32> to vector<16xf32>
    tpu.vector_store %arg15[%swap3A_113], %swap3A_116 {strides = array<i32>} : memref<640xf32, #tpu.memory_space<vmem>>, vector<16xf32>,
    %swap3A_117 = arith.constant 432 : index
    %swap3A_118 = tpu.vector_load %arg15[%swap3A_117] {strides = array<i32>} : memref<640xf32, #tpu.memory_space<vmem>>, vector<16xf32>,
    %swap3A_119 = vector.shape_cast %swap3A_118 : vector<16xf32> to vector<16xf32>
    %swap3A_120 = vector.shape_cast %broadcast_in_dim3A_3 : vector<16xf32> to vector<16xf32>
    tpu.vector_store %arg15[%swap3A_117], %swap3A_120 {strides = array<i32>} : memref<640xf32, #tpu.memory_space<vmem>>, vector<16xf32>,
    %swap3A_121 = arith.constant 448 : index
    %swap3A_122 = tpu.vector_load %arg15[%swap3A_121] {strides = array<i32>} : memref<640xf32, #tpu.memory_space<vmem>>, vector<16xf32>,
    %swap3A_123 = vector.shape_cast %swap3A_122 : vector<16xf32> to vector<16xf32>
    %swap3A_124 = vector.shape_cast %broadcast_in_dim3A_3 : vector<16xf32> to vector<16xf32>
    tpu.vector_store %arg15[%swap3A_121], %swap3A_124 {strides = array<i32>} : memref<640xf32, #tpu.memory_space<vmem>>, vector<16xf32>,
    %swap3A_125 = arith.constant 464 : index
    %swap3A_126 = tpu.vector_load %arg15[%swap3A_125] {strides = array<i32>} : memref<640xf32, #tpu.memory_space<vmem>>, vector<16xf32>,
    %swap3A_127 = vector.shape_cast %swap3A_126 : vector<16xf32> to vector<16xf32>
    %swap3A_128 = vector.shape_cast %broadcast_in_dim3A_3 : vector<16xf32> to vector<16xf32>
    tpu.vector_store %arg15[%swap3A_125], %swap3A_128 {strides = array<i32>} : memref<640xf32, #tpu.memory_space<vmem>>, vector<16xf32>,
    %swap3A_129 = arith.constant 480 : index
    %swap3A_130 = tpu.vector_load %arg15[%swap3A_129] {strides = array<i32>} : memref<640xf32, #tpu.memory_space<vmem>>, vector<16xf32>,
    %swap3A_131 = vector.shape_cast %swap3A_130 : vector<16xf32> to vector<16xf32>
    %swap3A_132 = vector.shape_cast %broadcast_in_dim3A_3 : vector<16xf32> to vector<16xf32>
    tpu.vector_store %arg15[%swap3A_129], %swap3A_132 {strides = array<i32>} : memref<640xf32, #tpu.memory_space<vmem>>, vector<16xf32>,
    %swap3A_133 = arith.constant 496 : index
    %swap3A_134 = tpu.vector_load %arg15[%swap3A_133] {strides = array<i32>} : memref<640xf32, #tpu.memory_space<vmem>>, vector<16xf32>,
    %swap3A_135 = vector.shape_cast %swap3A_134 : vector<16xf32> to vector<16xf32>
    %swap3A_136 = vector.shape_cast %broadcast_in_dim3A_3 : vector<16xf32> to vector<16xf32>
    tpu.vector_store %arg15[%swap3A_133], %swap3A_136 {strides = array<i32>} : memref<640xf32, #tpu.memory_space<vmem>>, vector<16xf32>,
    %swap3A_137 = arith.constant 512 : index
    %swap3A_138 = tpu.vector_load %arg15[%swap3A_137] {strides = array<i32>} : memref<640xf32, #tpu.memory_space<vmem>>, vector<16xf32>,
    %swap3A_139 = vector.shape_cast %swap3A_138 : vector<16xf32> to vector<16xf32>
    %swap3A_140 = vector.shape_cast %broadcast_in_dim3A_3 : vector<16xf32> to vector<16xf32>
    tpu.vector_store %arg15[%swap3A_137], %swap3A_140 {strides = array<i32>} : memref<640xf32, #tpu.memory_space<vmem>>, vector<16xf32>,
    %swap3A_141 = arith.constant 528 : index
    %swap3A_142 = tpu.vector_load %arg15[%swap3A_141] {strides = array<i32>} : memref<640xf32, #tpu.memory_space<vmem>>, vector<16xf32>,
    %swap3A_143 = vector.shape_cast %swap3A_142 : vector<16xf32> to vector<16xf32>
    %swap3A_144 = vector.shape_cast %broadcast_in_dim3A_3 : vector<16xf32> to vector<16xf32>
    tpu.vector_store %arg15[%swap3A_141], %swap3A_144 {strides = array<i32>} : memref<640xf32, #tpu.memory_space<vmem>>, vector<16xf32>,
    %swap3A_145 = arith.constant 544 : index
    %swap3A_146 = tpu.vector_load %arg15[%swap3A_145] {strides = array<i32>} : memref<640xf32, #tpu.memory_space<vmem>>, vector<16xf32>,
    %swap3A_147 = vector.shape_cast %swap3A_146 : vector<16xf32> to vector<16xf32>
    %swap3A_148 = vector.shape_cast %broadcast_in_dim3A_3 : vector<16xf32> to vector<16xf32>
    tpu.vector_store %arg15[%swap3A_145], %swap3A_148 {strides = array<i32>} : memref<640xf32, #tpu.memory_space<vmem>>, vector<16xf32>,
    %swap3A_149 = arith.constant 560 : index
    %swap3A_150 = tpu.vector_load %arg15[%swap3A_149] {strides = array<i32>} : memref<640xf32, #tpu.memory_space<vmem>>, vector<16xf32>,
    %swap3A_151 = vector.shape_cast %swap3A_150 : vector<16xf32> to vector<16xf32>
    %swap3A_152 = vector.shape_cast %broadcast_in_dim3A_3 : vector<16xf32> to vector<16xf32>
    tpu.vector_store %arg15[%swap3A_149], %swap3A_152 {strides = array<i32>} : memref<640xf32, #tpu.memory_space<vmem>>, vector<16xf32>,
    %swap3A_153 = arith.constant 576 : index
    %swap3A_154 = tpu.vector_load %arg15[%swap3A_153] {strides = array<i32>} : memref<640xf32, #tpu.memory_space<vmem>>, vector<16xf32>,
    %swap3A_155 = vector.shape_cast %swap3A_154 : vector<16xf32> to vector<16xf32>
    %swap3A_156 = vector.shape_cast %broadcast_in_dim3A_3 : vector<16xf32> to vector<16xf32>
    tpu.vector_store %arg15[%swap3A_153], %swap3A_156 {strides = array<i32>} : memref<640xf32, #tpu.memory_space<vmem>>, vector<16xf32>,
    %swap3A_157 = arith.constant 592 : index
    %swap3A_158 = tpu.vector_load %arg15[%swap3A_157] {strides = array<i32>} : memref<640xf32, #tpu.memory_space<vmem>>, vector<16xf32>,
    %swap3A_159 = vector.shape_cast %swap3A_158 : vector<16xf32> to vector<16xf32>
    %swap3A_160 = vector.shape_cast %broadcast_in_dim3A_3 : vector<16xf32> to vector<16xf32>
    tpu.vector_store %arg15[%swap3A_157], %swap3A_160 {strides = array<i32>} : memref<640xf32, #tpu.memory_space<vmem>>, vector<16xf32>,
    %swap3A_161 = arith.constant 608 : index
    %swap3A_162 = tpu.vector_load %arg15[%swap3A_161] {strides = array<i32>} : memref<640xf32, #tpu.memory_space<vmem>>, vector<16xf32>,
    %swap3A_163 = vector.shape_cast %swap3A_162 : vector<16xf32> to vector<16xf32>
    %swap3A_164 = vector.shape_cast %broadcast_in_dim3A_3 : vector<16xf32> to vector<16xf32>
    tpu.vector_store %arg15[%swap3A_161], %swap3A_164 {strides = array<i32>} : memref<640xf32, #tpu.memory_space<vmem>>, vector<16xf32>,
    %swap3A_165 = arith.constant 624 : index
    %swap3A_166 = tpu.vector_load %arg15[%swap3A_165] {strides = array<i32>} : memref<640xf32, #tpu.memory_space<vmem>>, vector<16xf32>,
    %swap3A_167 = vector.shape_cast %swap3A_166 : vector<16xf32> to vector<16xf32>
    %swap3A_168 = vector.shape_cast %broadcast_in_dim3A_3 : vector<16xf32> to vector<16xf32>
    tpu.vector_store %arg15[%swap3A_165], %swap3A_168 {strides = array<i32>} : memref<640xf32, #tpu.memory_space<vmem>>, vector<16xf32>,
    %swap3A_169 = arith.constant 0 : index
    %swap3A_170 = tpu.vector_load %arg14[%swap3A_169] {strides = array<i32>} : memref<80xf32, #tpu.memory_space<vmem>>, vector<16xf32>,
    %swap3A_171 = vector.shape_cast %swap3A_170 : vector<16xf32> to vector<16xf32>
    %swap3A_172 = vector.shape_cast %broadcast_in_dim3A_5 : vector<16xf32> to vector<16xf32>
    tpu.vector_store %arg14[%swap3A_169], %swap3A_172 {strides = array<i32>} : memref<80xf32, #tpu.memory_space<vmem>>, vector<16xf32>,
    %swap3A_173 = arith.constant 16 : index
    %swap3A_174 = tpu.vector_load %arg14[%swap3A_173] {strides = array<i32>} : memref<80xf32, #tpu.memory_space<vmem>>, vector<16xf32>,
    %swap3A_175 = vector.shape_cast %swap3A_174 : vector<16xf32> to vector<16xf32>
    %swap3A_176 = vector.shape_cast %broadcast_in_dim3A_5 : vector<16xf32> to vector<16xf32>
    tpu.vector_store %arg14[%swap3A_173], %swap3A_176 {strides = array<i32>} : memref<80xf32, #tpu.memory_space<vmem>>, vector<16xf32>,
    %swap3A_177 = arith.constant 32 : index
    %swap3A_178 = tpu.vector_load %arg14[%swap3A_177] {strides = array<i32>} : memref<80xf32, #tpu.memory_space<vmem>>, vector<16xf32>,
    %swap3A_179 = vector.shape_cast %swap3A_178 : vector<16xf32> to vector<16xf32>
    %swap3A_180 = vector.shape_cast %broadcast_in_dim3A_5 : vector<16xf32> to vector<16xf32>
    tpu.vector_store %arg14[%swap3A_177], %swap3A_180 {strides = array<i32>} : memref<80xf32, #tpu.memory_space<vmem>>, vector<16xf32>,
    %swap3A_181 = arith.constant 48 : index
    %swap3A_182 = tpu.vector_load %arg14[%swap3A_181] {strides = array<i32>} : memref<80xf32, #tpu.memory_space<vmem>>, vector<16xf32>,
    %swap3A_183 = vector.shape_cast %swap3A_182 : vector<16xf32> to vector<16xf32>
    %swap3A_184 = vector.shape_cast %broadcast_in_dim3A_5 : vector<16xf32> to vector<16xf32>
    tpu.vector_store %arg14[%swap3A_181], %swap3A_184 {strides = array<i32>} : memref<80xf32, #tpu.memory_space<vmem>>, vector<16xf32>,
    %swap3A_185 = arith.constant 64 : index
    %swap3A_186 = tpu.vector_load %arg14[%swap3A_185] {strides = array<i32>} : memref<80xf32, #tpu.memory_space<vmem>>, vector<16xf32>,
    %swap3A_187 = vector.shape_cast %swap3A_186 : vector<16xf32> to vector<16xf32>
    %swap3A_188 = vector.shape_cast %broadcast_in_dim3A_5 : vector<16xf32> to vector<16xf32>
    tpu.vector_store %arg14[%swap3A_185], %swap3A_188 {strides = array<i32>} : memref<80xf32, #tpu.memory_space<vmem>>, vector<16xf32>,
    %mul3A_189 = arith.constant 640 : i32
    %mul3A_190 = arith.muli %arg1, %mul3A_189 : i32
    %add3A_191 = arith.constant 0 : i32
    %add3A_192 = arith.addi %mul3A_190, %add3A_191 : i32
    %dma_start3A = arith.constant 0 : i32
    %dma_start3A_193 = tpu.memref_slice %arg16[%add3A_192, %dma_start3A] : memref<10240x128xf32, #tpu.memory_space<vmem_shared>> -> memref<80x128xf32, #tpu.memory_space<vmem_shared>>
    %dma_start3A_194 = arith.constant 0 : i32
    %dma_start3A_195 = tpu.memref_slice %arg16[%add3A_192, %dma_start3A_194] : memref<10240x128xf32, #tpu.memory_space<vmem_shared>> -> memref<80x128xf32, #tpu.memory_space<vmem_shared>>
    tpu.enqueue_dma source(%arg11 : memref<80x128xf32, #tpu.memory_space<vmem>>) target(%dma_start3A_195 : memref<80x128xf32, #tpu.memory_space<vmem_shared>>) target_semaphore(%arg24 : memref<!tpu.dma_semaphore, #tpu.memory_space<semaphore_mem>>)
    %mul3A_196 = arith.constant 640 : i32
    %mul3A_197 = arith.muli %arg1, %mul3A_196 : i32
    %add3A_198 = arith.constant 80 : i32
    %add3A_199 = arith.addi %mul3A_197, %add3A_198 : i32
    %dma_start3A_200 = arith.constant 0 : i32
    %dma_start3A_201 = tpu.memref_slice %arg16[%add3A_199, %dma_start3A_200] : memref<10240x128xf32, #tpu.memory_space<vmem_shared>> -> memref<80x128xf32, #tpu.memory_space<vmem_shared>>
    %dma_start3A_202 = arith.constant 0 : i32
    %dma_start3A_203 = tpu.memref_slice %arg16[%add3A_199, %dma_start3A_202] : memref<10240x128xf32, #tpu.memory_space<vmem_shared>> -> memref<80x128xf32, #tpu.memory_space<vmem_shared>>
    tpu.enqueue_dma source(%arg11 : memref<80x128xf32, #tpu.memory_space<vmem>>) target(%dma_start3A_203 : memref<80x128xf32, #tpu.memory_space<vmem_shared>>) target_semaphore(%arg24 : memref<!tpu.dma_semaphore, #tpu.memory_space<semaphore_mem>>)
    %mul3A_204 = arith.constant 640 : i32
    %mul3A_205 = arith.muli %arg1, %mul3A_204 : i32
    %add3A_206 = arith.constant 160 : i32
    %add3A_207 = arith.addi %mul3A_205, %add3A_206 : i32
    %dma_start3A_208 = arith.constant 0 : i32
    %dma_start3A_209 = tpu.memref_slice %arg16[%add3A_207, %dma_start3A_208] : memref<10240x128xf32, #tpu.memory_space<vmem_shared>> -> memref<80x128xf32, #tpu.memory_space<vmem_shared>>
    %dma_start3A_210 = arith.constant 0 : i32
    %dma_start3A_211 = tpu.memref_slice %arg16[%add3A_207, %dma_start3A_210] : memref<10240x128xf32, #tpu.memory_space<vmem_shared>> -> memref<80x128xf32, #tpu.memory_space<vmem_shared>>
    tpu.enqueue_dma source(%arg11 : memref<80x128xf32, #tpu.memory_space<vmem>>) target(%dma_start3A_211 : memref<80x128xf32, #tpu.memory_space<vmem_shared>>) target_semaphore(%arg24 : memref<!tpu.dma_semaphore, #tpu.memory_space<semaphore_mem>>)
    %mul3A_212 = arith.constant 640 : i32
    %mul3A_213 = arith.muli %arg1, %mul3A_212 : i32
    %add3A_214 = arith.constant 240 : i32
    %add3A_215 = arith.addi %mul3A_213, %add3A_214 : i32
    %dma_start3A_216 = arith.constant 0 : i32
    %dma_start3A_217 = tpu.memref_slice %arg16[%add3A_215, %dma_start3A_216] : memref<10240x128xf32, #tpu.memory_space<vmem_shared>> -> memref<80x128xf32, #tpu.memory_space<vmem_shared>>
    %dma_start3A_218 = arith.constant 0 : i32
    %dma_start3A_219 = tpu.memref_slice %arg16[%add3A_215, %dma_start3A_218] : memref<10240x128xf32, #tpu.memory_space<vmem_shared>> -> memref<80x128xf32, #tpu.memory_space<vmem_shared>>
    tpu.enqueue_dma source(%arg11 : memref<80x128xf32, #tpu.memory_space<vmem>>) target(%dma_start3A_219 : memref<80x128xf32, #tpu.memory_space<vmem_shared>>) target_semaphore(%arg24 : memref<!tpu.dma_semaphore, #tpu.memory_space<semaphore_mem>>)
    %mul3A_220 = arith.constant 640 : i32
    %mul3A_221 = arith.muli %arg1, %mul3A_220 : i32
    %add3A_222 = arith.constant 320 : i32
    %add3A_223 = arith.addi %mul3A_221, %add3A_222 : i32
    %dma_start3A_224 = arith.constant 0 : i32
    %dma_start3A_225 = tpu.memref_slice %arg16[%add3A_223, %dma_start3A_224] : memref<10240x128xf32, #tpu.memory_space<vmem_shared>> -> memref<80x128xf32, #tpu.memory_space<vmem_shared>>
    %dma_start3A_226 = arith.constant 0 : i32
    %dma_start3A_227 = tpu.memref_slice %arg16[%add3A_223, %dma_start3A_226] : memref<10240x128xf32, #tpu.memory_space<vmem_shared>> -> memref<80x128xf32, #tpu.memory_space<vmem_shared>>
    tpu.enqueue_dma source(%arg11 : memref<80x128xf32, #tpu.memory_space<vmem>>) target(%dma_start3A_227 : memref<80x128xf32, #tpu.memory_space<vmem_shared>>) target_semaphore(%arg24 : memref<!tpu.dma_semaphore, #tpu.memory_space<semaphore_mem>>)
    %mul3A_228 = arith.constant 640 : i32
    %mul3A_229 = arith.muli %arg1, %mul3A_228 : i32
    %add3A_230 = arith.constant 400 : i32
    %add3A_231 = arith.addi %mul3A_229, %add3A_230 : i32
    %dma_start3A_232 = arith.constant 0 : i32
    %dma_start3A_233 = tpu.memref_slice %arg16[%add3A_231, %dma_start3A_232] : memref<10240x128xf32, #tpu.memory_space<vmem_shared>> -> memref<80x128xf32, #tpu.memory_space<vmem_shared>>
    %dma_start3A_234 = arith.constant 0 : i32
    %dma_start3A_235 = tpu.memref_slice %arg16[%add3A_231, %dma_start3A_234] : memref<10240x128xf32, #tpu.memory_space<vmem_shared>> -> memref<80x128xf32, #tpu.memory_space<vmem_shared>>
    tpu.enqueue_dma source(%arg11 : memref<80x128xf32, #tpu.memory_space<vmem>>) target(%dma_start3A_235 : memref<80x128xf32, #tpu.memory_space<vmem_shared>>) target_semaphore(%arg24 : memref<!tpu.dma_semaphore, #tpu.memory_space<semaphore_mem>>)
    %mul3A_236 = arith.constant 640 : i32
    %mul3A_237 = arith.muli %arg1, %mul3A_236 : i32
    %add3A_238 = arith.constant 480 : i32
    %add3A_239 = arith.addi %mul3A_237, %add3A_238 : i32
    %dma_start3A_240 = arith.constant 0 : i32
    %dma_start3A_241 = tpu.memref_slice %arg16[%add3A_239, %dma_start3A_240] : memref<10240x128xf32, #tpu.memory_space<vmem_shared>> -> memref<80x128xf32, #tpu.memory_space<vmem_shared>>
    %dma_start3A_242 = arith.constant 0 : i32
    %dma_start3A_243 = tpu.memref_slice %arg16[%add3A_239, %dma_start3A_242] : memref<10240x128xf32, #tpu.memory_space<vmem_shared>> -> memref<80x128xf32, #tpu.memory_space<vmem_shared>>
    tpu.enqueue_dma source(%arg11 : memref<80x128xf32, #tpu.memory_space<vmem>>) target(%dma_start3A_243 : memref<80x128xf32, #tpu.memory_space<vmem_shared>>) target_semaphore(%arg24 : memref<!tpu.dma_semaphore, #tpu.memory_space<semaphore_mem>>)
    %mul3A_244 = arith.constant 640 : i32
    %mul3A_245 = arith.muli %arg1, %mul3A_244 : i32
    %add3A_246 = arith.constant 560 : i32
    %add3A_247 = arith.addi %mul3A_245, %add3A_246 : i32
    %dma_start3A_248 = arith.constant 0 : i32
    %dma_start3A_249 = tpu.memref_slice %arg16[%add3A_247, %dma_start3A_248] : memref<10240x128xf32, #tpu.memory_space<vmem_shared>> -> memref<80x128xf32, #tpu.memory_space<vmem_shared>>
    %dma_start3A_250 = arith.constant 0 : i32
    %dma_start3A_251 = tpu.memref_slice %arg16[%add3A_247, %dma_start3A_250] : memref<10240x128xf32, #tpu.memory_space<vmem_shared>> -> memref<80x128xf32, #tpu.memory_space<vmem_shared>>
    tpu.enqueue_dma source(%arg11 : memref<80x128xf32, #tpu.memory_space<vmem>>) target(%dma_start3A_251 : memref<80x128xf32, #tpu.memory_space<vmem_shared>>) target_semaphore(%arg24 : memref<!tpu.dma_semaphore, #tpu.memory_space<semaphore_mem>>)
    %mul3A_252 = arith.constant 640 : i32
    %mul3A_253 = arith.muli %arg1, %mul3A_252 : i32
    %dma_start3A_254 = tpu.memref_slice %arg17[%mul3A_253] : memref<10240xf32, #tpu.memory_space<vmem_shared>> -> memref<640xf32, #tpu.memory_space<vmem_shared>>
    %dma_start3A_255 = tpu.memref_slice %arg17[%mul3A_253] : memref<10240xf32, #tpu.memory_space<vmem_shared>> -> memref<640xf32, #tpu.memory_space<vmem_shared>>
    tpu.enqueue_dma source(%arg15 : memref<640xf32, #tpu.memory_space<vmem>>) target(%dma_start3A_255 : memref<640xf32, #tpu.memory_space<vmem_shared>>) target_semaphore(%arg24 : memref<!tpu.dma_semaphore, #tpu.memory_space<semaphore_mem>>)
    "tpu.region"() ({
      %run_scoped3A = tpu.sem_alloc : memref<!tpu.dma_semaphore, #tpu.memory_space<semaphore_mem>>
      %dma_start3A_383 = tpu.memref_slice %arg3[%mul3A_2] : memref<320000xi32, #tpu.memory_space<hbm>> -> memref<10000xi32, #tpu.memory_space<hbm>>
      %dma_start3A_384 = tpu.memref_slice %arg3[%mul3A_2] : memref<320000xi32, #tpu.memory_space<hbm>> -> memref<10000xi32, #tpu.memory_space<hbm>>
      tpu.enqueue_dma source(%dma_start3A_384 : memref<10000xi32, #tpu.memory_space<hbm>>) target(%arg7 : memref<10000xi32, #tpu.memory_space<vmem>>) target_semaphore(%run_scoped3A : memref<!tpu.dma_semaphore, #tpu.memory_space<semaphore_mem>>)
      %dma_wait3A_385 = tpu.memref_slice %arg3[%mul3A_2] : memref<320000xi32, #tpu.memory_space<hbm>> -> memref<10000xi32, #tpu.memory_space<hbm>>
      %dma_wait3A_386 = tpu.memref_slice %arg3[%mul3A_2] : memref<320000xi32, #tpu.memory_space<hbm>> -> memref<10000xi32, #tpu.memory_space<hbm>>
      tpu.wait_dma2 semaphore(%run_scoped3A : memref<!tpu.dma_semaphore, #tpu.memory_space<semaphore_mem>>) src(%dma_wait3A_386 : memref<10000xi32, #tpu.memory_space<hbm>>) dst(%arg7 : memref<10000xi32, #tpu.memory_space<vmem>>)
      tpu.yield
    }) : () -> ()
    %add3A_256 = arith.constant 0 : i32
    %add3A_257 = arith.addi %mul3A_2, %add3A_256 : i32
    %dma_start3A_258 = tpu.memref_slice %arg2[%add3A_257] : memref<320000xi32, #tpu.memory_space<hbm>> -> memref<80xi32, #tpu.memory_space<hbm>>
    %dma_start3A_259 = tpu.memref_slice %arg2[%add3A_257] : memref<320000xi32, #tpu.memory_space<hbm>> -> memref<80xi32, #tpu.memory_space<hbm>>
    tpu.enqueue_dma source(%dma_start3A_259 : memref<80xi32, #tpu.memory_space<hbm>>) target(%arg8 : memref<80xi32, #tpu.memory_space<vmem>>) target_semaphore(%arg21 : memref<!tpu.dma_semaphore, #tpu.memory_space<semaphore_mem>>)
    %add3A_260 = arith.constant 80 : i32
    %add3A_261 = arith.addi %mul3A_2, %add3A_260 : i32
    %dma_start3A_262 = tpu.memref_slice %arg2[%add3A_261] : memref<320000xi32, #tpu.memory_space<hbm>> -> memref<80xi32, #tpu.memory_space<hbm>>
    %dma_start3A_263 = tpu.memref_slice %arg2[%add3A_261] : memref<320000xi32, #tpu.memory_space<hbm>> -> memref<80xi32, #tpu.memory_space<hbm>>
    tpu.enqueue_dma source(%dma_start3A_263 : memref<80xi32, #tpu.memory_space<hbm>>) target(%arg9 : memref<80xi32, #tpu.memory_space<vmem>>) target_semaphore(%arg22 : memref<!tpu.dma_semaphore, #tpu.memory_space<semaphore_mem>>)
    %mul3A_264 = arith.constant 640 : i32
    %mul3A_265 = arith.muli %arg1, %mul3A_264 : i32
    %add3A_266 = arith.constant 0 : i32
    %add3A_267 = arith.addi %mul3A_265, %add3A_266 : i32
    %dma_wait3A = arith.constant 0 : i32
    %dma_wait3A_268 = tpu.memref_slice %arg16[%add3A_267, %dma_wait3A] : memref<10240x128xf32, #tpu.memory_space<vmem_shared>> -> memref<80x128xf32, #tpu.memory_space<vmem_shared>>
    %dma_wait3A_269 = arith.constant 0 : i32
    %dma_wait3A_270 = tpu.memref_slice %arg16[%add3A_267, %dma_wait3A_269] : memref<10240x128xf32, #tpu.memory_space<vmem_shared>> -> memref<80x128xf32, #tpu.memory_space<vmem_shared>>
    tpu.wait_dma2 semaphore(%arg24 : memref<!tpu.dma_semaphore, #tpu.memory_space<semaphore_mem>>) src(%arg11 : memref<80x128xf32, #tpu.memory_space<vmem>>) dst(%dma_wait3A_270 : memref<80x128xf32, #tpu.memory_space<vmem_shared>>)
    %mul3A_271 = arith.constant 640 : i32
    %mul3A_272 = arith.muli %arg1, %mul3A_271 : i32
    %add3A_273 = arith.constant 80 : i32
    %add3A_274 = arith.addi %mul3A_272, %add3A_273 : i32
    %dma_wait3A_275 = arith.constant 0 : i32
    %dma_wait3A_276 = tpu.memref_slice %arg16[%add3A_274, %dma_wait3A_275] : memref<10240x128xf32, #tpu.memory_space<vmem_shared>> -> memref<80x128xf32, #tpu.memory_space<vmem_shared>>
    %dma_wait3A_277 = arith.constant 0 : i32
    %dma_wait3A_278 = tpu.memref_slice %arg16[%add3A_274, %dma_wait3A_277] : memref<10240x128xf32, #tpu.memory_space<vmem_shared>> -> memref<80x128xf32, #tpu.memory_space<vmem_shared>>
    tpu.wait_dma2 semaphore(%arg24 : memref<!tpu.dma_semaphore, #tpu.memory_space<semaphore_mem>>) src(%arg11 : memref<80x128xf32, #tpu.memory_space<vmem>>) dst(%dma_wait3A_278 : memref<80x128xf32, #tpu.memory_space<vmem_shared>>)
    %mul3A_279 = arith.constant 640 : i32
    %mul3A_280 = arith.muli %arg1, %mul3A_279 : i32
    %add3A_281 = arith.constant 160 : i32
    %add3A_282 = arith.addi %mul3A_280, %add3A_281 : i32
    %dma_wait3A_283 = arith.constant 0 : i32
    %dma_wait3A_284 = tpu.memref_slice %arg16[%add3A_282, %dma_wait3A_283] : memref<10240x128xf32, #tpu.memory_space<vmem_shared>> -> memref<80x128xf32, #tpu.memory_space<vmem_shared>>
    %dma_wait3A_285 = arith.constant 0 : i32
    %dma_wait3A_286 = tpu.memref_slice %arg16[%add3A_282, %dma_wait3A_285] : memref<10240x128xf32, #tpu.memory_space<vmem_shared>> -> memref<80x128xf32, #tpu.memory_space<vmem_shared>>
    tpu.wait_dma2 semaphore(%arg24 : memref<!tpu.dma_semaphore, #tpu.memory_space<semaphore_mem>>) src(%arg11 : memref<80x128xf32, #tpu.memory_space<vmem>>) dst(%dma_wait3A_286 : memref<80x128xf32, #tpu.memory_space<vmem_shared>>)
    %mul3A_287 = arith.constant 640 : i32
    %mul3A_288 = arith.muli %arg1, %mul3A_287 : i32
    %add3A_289 = arith.constant 240 : i32
    %add3A_290 = arith.addi %mul3A_288, %add3A_289 : i32
    %dma_wait3A_291 = arith.constant 0 : i32
    %dma_wait3A_292 = tpu.memref_slice %arg16[%add3A_290, %dma_wait3A_291] : memref<10240x128xf32, #tpu.memory_space<vmem_shared>> -> memref<80x128xf32, #tpu.memory_space<vmem_shared>>
    %dma_wait3A_293 = arith.constant 0 : i32
    %dma_wait3A_294 = tpu.memref_slice %arg16[%add3A_290, %dma_wait3A_293] : memref<10240x128xf32, #tpu.memory_space<vmem_shared>> -> memref<80x128xf32, #tpu.memory_space<vmem_shared>>
    tpu.wait_dma2 semaphore(%arg24 : memref<!tpu.dma_semaphore, #tpu.memory_space<semaphore_mem>>) src(%arg11 : memref<80x128xf32, #tpu.memory_space<vmem>>) dst(%dma_wait3A_294 : memref<80x128xf32, #tpu.memory_space<vmem_shared>>)
    %mul3A_295 = arith.constant 640 : i32
    %mul3A_296 = arith.muli %arg1, %mul3A_295 : i32
    %add3A_297 = arith.constant 320 : i32
    %add3A_298 = arith.addi %mul3A_296, %add3A_297 : i32
    %dma_wait3A_299 = arith.constant 0 : i32
    %dma_wait3A_300 = tpu.memref_slice %arg16[%add3A_298, %dma_wait3A_299] : memref<10240x128xf32, #tpu.memory_space<vmem_shared>> -> memref<80x128xf32, #tpu.memory_space<vmem_shared>>
    %dma_wait3A_301 = arith.constant 0 : i32
    %dma_wait3A_302 = tpu.memref_slice %arg16[%add3A_298, %dma_wait3A_301] : memref<10240x128xf32, #tpu.memory_space<vmem_shared>> -> memref<80x128xf32, #tpu.memory_space<vmem_shared>>
    tpu.wait_dma2 semaphore(%arg24 : memref<!tpu.dma_semaphore, #tpu.memory_space<semaphore_mem>>) src(%arg11 : memref<80x128xf32, #tpu.memory_space<vmem>>) dst(%dma_wait3A_302 : memref<80x128xf32, #tpu.memory_space<vmem_shared>>)
    %mul3A_303 = arith.constant 640 : i32
    %mul3A_304 = arith.muli %arg1, %mul3A_303 : i32
    %add3A_305 = arith.constant 400 : i32
    %add3A_306 = arith.addi %mul3A_304, %add3A_305 : i32
    %dma_wait3A_307 = arith.constant 0 : i32
    %dma_wait3A_308 = tpu.memref_slice %arg16[%add3A_306, %dma_wait3A_307] : memref<10240x128xf32, #tpu.memory_space<vmem_shared>> -> memref<80x128xf32, #tpu.memory_space<vmem_shared>>
    %dma_wait3A_309 = arith.constant 0 : i32
    %dma_wait3A_310 = tpu.memref_slice %arg16[%add3A_306, %dma_wait3A_309] : memref<10240x128xf32, #tpu.memory_space<vmem_shared>> -> memref<80x128xf32, #tpu.memory_space<vmem_shared>>
    tpu.wait_dma2 semaphore(%arg24 : memref<!tpu.dma_semaphore, #tpu.memory_space<semaphore_mem>>) src(%arg11 : memref<80x128xf32, #tpu.memory_space<vmem>>) dst(%dma_wait3A_310 : memref<80x128xf32, #tpu.memory_space<vmem_shared>>)
    %mul3A_311 = arith.constant 640 : i32
    %mul3A_312 = arith.muli %arg1, %mul3A_311 : i32
    %add3A_313 = arith.constant 480 : i32
    %add3A_314 = arith.addi %mul3A_312, %add3A_313 : i32
    %dma_wait3A_315 = arith.constant 0 : i32
    %dma_wait3A_316 = tpu.memref_slice %arg16[%add3A_314, %dma_wait3A_315] : memref<10240x128xf32, #tpu.memory_space<vmem_shared>> -> memref<80x128xf32, #tpu.memory_space<vmem_shared>>
    %dma_wait3A_317 = arith.constant 0 : i32
    %dma_wait3A_318 = tpu.memref_slice %arg16[%add3A_314, %dma_wait3A_317] : memref<10240x128xf32, #tpu.memory_space<vmem_shared>> -> memref<80x128xf32, #tpu.memory_space<vmem_shared>>
    tpu.wait_dma2 semaphore(%arg24 : memref<!tpu.dma_semaphore, #tpu.memory_space<semaphore_mem>>) src(%arg11 : memref<80x128xf32, #tpu.memory_space<vmem>>) dst(%dma_wait3A_318 : memref<80x128xf32, #tpu.memory_space<vmem_shared>>)
    %mul3A_319 = arith.constant 640 : i32
    %mul3A_320 = arith.muli %arg1, %mul3A_319 : i32
    %add3A_321 = arith.constant 560 : i32
    %add3A_322 = arith.addi %mul3A_320, %add3A_321 : i32
    %dma_wait3A_323 = arith.constant 0 : i32
    %dma_wait3A_324 = tpu.memref_slice %arg16[%add3A_322, %dma_wait3A_323] : memref<10240x128xf32, #tpu.memory_space<vmem_shared>> -> memref<80x128xf32, #tpu.memory_space<vmem_shared>>
    %dma_wait3A_325 = arith.constant 0 : i32
    %dma_wait3A_326 = tpu.memref_slice %arg16[%add3A_322, %dma_wait3A_325] : memref<10240x128xf32, #tpu.memory_space<vmem_shared>> -> memref<80x128xf32, #tpu.memory_space<vmem_shared>>
    tpu.wait_dma2 semaphore(%arg24 : memref<!tpu.dma_semaphore, #tpu.memory_space<semaphore_mem>>) src(%arg11 : memref<80x128xf32, #tpu.memory_space<vmem>>) dst(%dma_wait3A_326 : memref<80x128xf32, #tpu.memory_space<vmem_shared>>)
    %mul3A_327 = arith.constant 640 : i32
    %mul3A_328 = arith.muli %arg1, %mul3A_327 : i32
    %dma_wait3A_329 = tpu.memref_slice %arg17[%mul3A_328] : memref<10240xf32, #tpu.memory_space<vmem_shared>> -> memref<640xf32, #tpu.memory_space<vmem_shared>>
    %dma_wait3A_330 = tpu.memref_slice %arg17[%mul3A_328] : memref<10240xf32, #tpu.memory_space<vmem_shared>> -> memref<640xf32, #tpu.memory_space<vmem_shared>>
    tpu.wait_dma2 semaphore(%arg24 : memref<!tpu.dma_semaphore, #tpu.memory_space<semaphore_mem>>) src(%arg15 : memref<640xf32, #tpu.memory_space<vmem>>) dst(%dma_wait3A_330 : memref<640xf32, #tpu.memory_space<vmem_shared>>)
    %dma_start3A_331 = arith.constant 0 : i32
    %dma_start3A_332 = tpu.memref_slice %arg7[%dma_start3A_331] : memref<10000xi32, #tpu.memory_space<vmem>> -> memref<80xi32, #tpu.memory_space<vmem>>
    %dma_start3A_333 = arith.constant 0 : i32
    %dma_start3A_334 = arith.constant 0 : i32
    %dma_start3A_335 = tpu.memref_slice %arg4[%dma_start3A_333, %dma_start3A_334] : memref<10000x128xf32, #tpu.memory_space<hbm>> -> memref<10000x128xf32, #tpu.memory_space<hbm>>
    tpu.enqueue_indirect_dma source(%dma_start3A_335 : memref<10000x128xf32, #tpu.memory_space<hbm>>) target(%arg11 : memref<80x128xf32, #tpu.memory_space<vmem>>) offsets(%dma_start3A_332 : memref<80xi32, #tpu.memory_space<vmem>>) semaphore(%arg18 : memref<!tpu.dma_semaphore, #tpu.memory_space<semaphore_mem>>)
    %dma_start3A_336 = arith.constant 80 : i32
    %dma_start3A_337 = tpu.memref_slice %arg7[%dma_start3A_336] : memref<10000xi32, #tpu.memory_space<vmem>> -> memref<80xi32, #tpu.memory_space<vmem>>
    %dma_start3A_338 = arith.constant 0 : i32
    %dma_start3A_339 = arith.constant 0 : i32
    %dma_start3A_340 = tpu.memref_slice %arg4[%dma_start3A_338, %dma_start3A_339] : memref<10000x128xf32, #tpu.memory_space<hbm>> -> memref<10000x128xf32, #tpu.memory_space<hbm>>
    tpu.enqueue_indirect_dma source(%dma_start3A_340 : memref<10000x128xf32, #tpu.memory_space<hbm>>) target(%arg12 : memref<80x128xf32, #tpu.memory_space<vmem>>) offsets(%dma_start3A_337 : memref<80xi32, #tpu.memory_space<vmem>>) semaphore(%arg19 : memref<!tpu.dma_semaphore, #tpu.memory_space<semaphore_mem>>)
    %barrier3A = arith.constant 0 : index
    tpu.barrier barrier_id(%barrier3A)
    %scan3A_341 = arith.constant 0 : i32
    %scan3A_342 = arith.constant 41 : i32
    %scan3A_343 = arith.addi %scan3A_341, %scan3A_342 : i32
    %scan3A_344 = arith.constant 1 : i32
    scf.for %scan3A_383 = %scan3A_341 to %scan3A_343 step %scan3A_344  : i32 {
      %mul3A_384 = arith.constant 3 : i32
      %mul3A_385 = arith.muli %scan3A_383, %mul3A_384 : i32
      %add3A_386 = arith.constant 0 : i32
      %add3A_387 = arith.addi %add3A_386, %mul3A_385 : i32
      %add3A_388 = arith.constant 0 : i32
      %add3A_389 = arith.addi %add3A_387, %add3A_388 : i32
      %gt3A = arith.constant 0 : i32
      %gt3A_390 = arith.cmpi sgt, %add3A_389, %gt3A : i32
      %convert_element_type3A = arith.extui %gt3A_390 : i1 to i32
      %cond3A = arith.constant 0 : i32
      %cond3A_391 = arith.cmpi ne, %convert_element_type3A, %cond3A : i32
      scf.if %cond3A_391 {
        %dma_wait3A_489 = arith.constant 0 : i32
        %dma_wait3A_490 = tpu.memref_slice %arg17[%dma_wait3A_489] : memref<10240xf32, #tpu.memory_space<vmem_shared>> -> memref<10240xf32, #tpu.memory_space<vmem_shared>>
        tpu.wait_indirect_dma semaphore(%arg24 : memref<!tpu.dma_semaphore, #tpu.memory_space<semaphore_mem>>) src(%arg14 : memref<80xf32, #tpu.memory_space<vmem>>) dst(%dma_wait3A_490 : memref<10240xf32, #tpu.memory_space<vmem_shared>>)
      } else {
      }
      %add3A_392 = arith.constant 3 : i32
      %add3A_393 = arith.addi %add3A_389, %add3A_392 : i32
      %sub3A = arith.constant 1 : i32
      %sub3A_394 = arith.subi %add3A_393, %sub3A : i32
      %mul3A_395 = arith.constant 80 : i32
      %mul3A_396 = arith.muli %sub3A_394, %mul3A_395 : i32
      %add3A_397 = arith.addi %mul3A_2, %mul3A_396 : i32
      %dma_start3A_398 = tpu.memref_slice %arg2[%add3A_397] : memref<320000xi32, #tpu.memory_space<hbm>> -> memref<80xi32, #tpu.memory_space<hbm>>
      %dma_start3A_399 = tpu.memref_slice %arg2[%add3A_397] : memref<320000xi32, #tpu.memory_space<hbm>> -> memref<80xi32, #tpu.memory_space<hbm>>
      tpu.enqueue_dma source(%dma_start3A_399 : memref<80xi32, #tpu.memory_space<hbm>>) target(%arg10 : memref<80xi32, #tpu.memory_space<vmem>>) target_semaphore(%arg23 : memref<!tpu.dma_semaphore, #tpu.memory_space<semaphore_mem>>)
      %mul3A_400 = arith.constant 80 : i32
      %mul3A_401 = arith.muli %sub3A_394, %mul3A_400 : i32
      %dma_start3A_402 = tpu.memref_slice %arg7[%mul3A_401] : memref<10000xi32, #tpu.memory_space<vmem>> -> memref<80xi32, #tpu.memory_space<vmem>>
      %dma_start3A_403 = arith.constant 0 : i32
      %dma_start3A_404 = arith.constant 0 : i32
      %dma_start3A_405 = tpu.memref_slice %arg4[%dma_start3A_403, %dma_start3A_404] : memref<10000x128xf32, #tpu.memory_space<hbm>> -> memref<10000x128xf32, #tpu.memory_space<hbm>>
      tpu.enqueue_indirect_dma source(%dma_start3A_405 : memref<10000x128xf32, #tpu.memory_space<hbm>>) target(%arg13 : memref<80x128xf32, #tpu.memory_space<vmem>>) offsets(%dma_start3A_402 : memref<80xi32, #tpu.memory_space<vmem>>) semaphore(%arg20 : memref<!tpu.dma_semaphore, #tpu.memory_space<semaphore_mem>>)
      %mul3A_406 = arith.constant 80 : i32
      %mul3A_407 = arith.muli %add3A_389, %mul3A_406 : i32
      %add3A_408 = arith.addi %mul3A_2, %mul3A_407 : i32
      %dma_wait3A_409 = tpu.memref_slice %arg2[%add3A_408] : memref<320000xi32, #tpu.memory_space<hbm>> -> memref<80xi32, #tpu.memory_space<hbm>>
      %dma_wait3A_410 = tpu.memref_slice %arg2[%add3A_408] : memref<320000xi32, #tpu.memory_space<hbm>> -> memref<80xi32, #tpu.memory_space<hbm>>
      tpu.wait_dma2 semaphore(%arg21 : memref<!tpu.dma_semaphore, #tpu.memory_space<semaphore_mem>>) src(%dma_wait3A_410 : memref<80xi32, #tpu.memory_space<hbm>>) dst(%arg8 : memref<80xi32, #tpu.memory_space<vmem>>)
      %mul3A_411 = arith.constant 80 : i32
      %mul3A_412 = arith.muli %add3A_389, %mul3A_411 : i32
      %dma_wait3A_413 = tpu.memref_slice %arg7[%mul3A_412] : memref<10000xi32, #tpu.memory_space<vmem>> -> memref<80xi32, #tpu.memory_space<vmem>>
      %dma_wait3A_414 = arith.constant 0 : i32
      %dma_wait3A_415 = arith.constant 0 : i32
      %dma_wait3A_416 = tpu.memref_slice %arg4[%dma_wait3A_414, %dma_wait3A_415] : memref<10000x128xf32, #tpu.memory_space<hbm>> -> memref<10000x128xf32, #tpu.memory_space<hbm>>
      tpu.wait_indirect_dma semaphore(%arg18 : memref<!tpu.dma_semaphore, #tpu.memory_space<semaphore_mem>>) src(%dma_wait3A_416 : memref<10000x128xf32, #tpu.memory_space<hbm>>) dst(%arg11 : memref<80x128xf32, #tpu.memory_space<vmem>>)
      %dma_start3A_417 = arith.constant 0 : i32
      %dma_start3A_418 = tpu.memref_slice %arg17[%dma_start3A_417] : memref<10240xf32, #tpu.memory_space<vmem_shared>> -> memref<10240xf32, #tpu.memory_space<vmem_shared>>
      tpu.enqueue_indirect_dma source(%arg14 : memref<80xf32, #tpu.memory_space<vmem>>) target(%dma_start3A_418 : memref<10240xf32, #tpu.memory_space<vmem_shared>>) offsets(%arg8 : memref<80xi32, #tpu.memory_space<vmem>>) semaphore(%arg24 : memref<!tpu.dma_semaphore, #tpu.memory_space<semaphore_mem>>) {add = true}
      "tpu.region"() ({
        %run_scoped3A = tpu.sem_alloc : memref<!tpu.dma_semaphore, #tpu.memory_space<semaphore_mem>>
        %dma_start3A_489 = arith.constant 0 : i32
        %dma_start3A_490 = arith.constant 0 : i32
        %dma_start3A_491 = tpu.memref_slice %arg16[%dma_start3A_489, %dma_start3A_490] : memref<10240x128xf32, #tpu.memory_space<vmem_shared>> -> memref<10240x128xf32, #tpu.memory_space<vmem_shared>>
        tpu.enqueue_indirect_dma source(%arg11 : memref<80x128xf32, #tpu.memory_space<vmem>>) target(%dma_start3A_491 : memref<10240x128xf32, #tpu.memory_space<vmem_shared>>) offsets(%arg8 : memref<80xi32, #tpu.memory_space<vmem>>) semaphore(%run_scoped3A : memref<!tpu.dma_semaphore, #tpu.memory_space<semaphore_mem>>) {add = true}
        %dma_wait3A_492 = arith.constant 0 : i32
        %dma_wait3A_493 = arith.constant 0 : i32
        %dma_wait3A_494 = tpu.memref_slice %arg16[%dma_wait3A_492, %dma_wait3A_493] : memref<10240x128xf32, #tpu.memory_space<vmem_shared>> -> memref<10240x128xf32, #tpu.memory_space<vmem_shared>>
        tpu.wait_indirect_dma semaphore(%run_scoped3A : memref<!tpu.dma_semaphore, #tpu.memory_space<semaphore_mem>>) src(%arg11 : memref<80x128xf32, #tpu.memory_space<vmem>>) dst(%dma_wait3A_494 : memref<10240x128xf32, #tpu.memory_space<vmem_shared>>)
        tpu.yield
      }) : () -> ()
      %add3A_419 = arith.constant 1 : i32
      %add3A_420 = arith.addi %add3A_387, %add3A_419 : i32
      %gt3A_421 = arith.constant 0 : i32
      %gt3A_422 = arith.cmpi sgt, %add3A_420, %gt3A_421 : i32
      %convert_element_type3A_423 = arith.extui %gt3A_422 : i1 to i32
      %cond3A_424 = arith.constant 0 : i32
      %cond3A_425 = arith.cmpi ne, %convert_element_type3A_423, %cond3A_424 : i32
      scf.if %cond3A_425 {
        %dma_wait3A_489 = arith.constant 0 : i32
        %dma_wait3A_490 = tpu.memref_slice %arg17[%dma_wait3A_489] : memref<10240xf32, #tpu.memory_space<vmem_shared>> -> memref<10240xf32, #tpu.memory_space<vmem_shared>>
        tpu.wait_indirect_dma semaphore(%arg24 : memref<!tpu.dma_semaphore, #tpu.memory_space<semaphore_mem>>) src(%arg14 : memref<80xf32, #tpu.memory_space<vmem>>) dst(%dma_wait3A_490 : memref<10240xf32, #tpu.memory_space<vmem_shared>>)
      } else {
      }
      %add3A_426 = arith.constant 3 : i32
      %add3A_427 = arith.addi %add3A_420, %add3A_426 : i32
      %sub3A_428 = arith.constant 1 : i32
      %sub3A_429 = arith.subi %add3A_427, %sub3A_428 : i32
      %mul3A_430 = arith.constant 80 : i32
      %mul3A_431 = arith.muli %sub3A_429, %mul3A_430 : i32
      %add3A_432 = arith.addi %mul3A_2, %mul3A_431 : i32
      %dma_start3A_433 = tpu.memref_slice %arg2[%add3A_432] : memref<320000xi32, #tpu.memory_space<hbm>> -> memref<80xi32, #tpu.memory_space<hbm>>
      %dma_start3A_434 = tpu.memref_slice %arg2[%add3A_432] : memref<320000xi32, #tpu.memory_space<hbm>> -> memref<80xi32, #tpu.memory_space<hbm>>
      tpu.enqueue_dma source(%dma_start3A_434 : memref<80xi32, #tpu.memory_space<hbm>>) target(%arg8 : memref<80xi32, #tpu.memory_space<vmem>>) target_semaphore(%arg21 : memref<!tpu.dma_semaphore, #tpu.memory_space<semaphore_mem>>)
      %mul3A_435 = arith.constant 80 : i32
      %mul3A_436 = arith.muli %sub3A_429, %mul3A_435 : i32
      %dma_start3A_437 = tpu.memref_slice %arg7[%mul3A_436] : memref<10000xi32, #tpu.memory_space<vmem>> -> memref<80xi32, #tpu.memory_space<vmem>>
      %dma_start3A_438 = arith.constant 0 : i32
      %dma_start3A_439 = arith.constant 0 : i32
      %dma_start3A_440 = tpu.memref_slice %arg4[%dma_start3A_438, %dma_start3A_439] : memref<10000x128xf32, #tpu.memory_space<hbm>> -> memref<10000x128xf32, #tpu.memory_space<hbm>>
      tpu.enqueue_indirect_dma source(%dma_start3A_440 : memref<10000x128xf32, #tpu.memory_space<hbm>>) target(%arg11 : memref<80x128xf32, #tpu.memory_space<vmem>>) offsets(%dma_start3A_437 : memref<80xi32, #tpu.memory_space<vmem>>) semaphore(%arg18 : memref<!tpu.dma_semaphore, #tpu.memory_space<semaphore_mem>>)
      %mul3A_441 = arith.constant 80 : i32
      %mul3A_442 = arith.muli %add3A_420, %mul3A_441 : i32
      %add3A_443 = arith.addi %mul3A_2, %mul3A_442 : i32
      %dma_wait3A_444 = tpu.memref_slice %arg2[%add3A_443] : memref<320000xi32, #tpu.memory_space<hbm>> -> memref<80xi32, #tpu.memory_space<hbm>>
      %dma_wait3A_445 = tpu.memref_slice %arg2[%add3A_443] : memref<320000xi32, #tpu.memory_space<hbm>> -> memref<80xi32, #tpu.memory_space<hbm>>
      tpu.wait_dma2 semaphore(%arg22 : memref<!tpu.dma_semaphore, #tpu.memory_space<semaphore_mem>>) src(%dma_wait3A_445 : memref<80xi32, #tpu.memory_space<hbm>>) dst(%arg9 : memref<80xi32, #tpu.memory_space<vmem>>)
      %mul3A_446 = arith.constant 80 : i32
      %mul3A_447 = arith.muli %add3A_420, %mul3A_446 : i32
      %dma_wait3A_448 = tpu.memref_slice %arg7[%mul3A_447] : memref<10000xi32, #tpu.memory_space<vmem>> -> memref<80xi32, #tpu.memory_space<vmem>>
      %dma_wait3A_449 = arith.constant 0 : i32
      %dma_wait3A_450 = arith.constant 0 : i32
      %dma_wait3A_451 = tpu.memref_slice %arg4[%dma_wait3A_449, %dma_wait3A_450] : memref<10000x128xf32, #tpu.memory_space<hbm>> -> memref<10000x128xf32, #tpu.memory_space<hbm>>
      tpu.wait_indirect_dma semaphore(%arg19 : memref<!tpu.dma_semaphore, #tpu.memory_space<semaphore_mem>>) src(%dma_wait3A_451 : memref<10000x128xf32, #tpu.memory_space<hbm>>) dst(%arg12 : memref<80x128xf32, #tpu.memory_space<vmem>>)
      %dma_start3A_452 = arith.constant 0 : i32
      %dma_start3A_453 = tpu.memref_slice %arg17[%dma_start3A_452] : memref<10240xf32, #tpu.memory_space<vmem_shared>> -> memref<10240xf32, #tpu.memory_space<vmem_shared>>
      tpu.enqueue_indirect_dma source(%arg14 : memref<80xf32, #tpu.memory_space<vmem>>) target(%dma_start3A_453 : memref<10240xf32, #tpu.memory_space<vmem_shared>>) offsets(%arg9 : memref<80xi32, #tpu.memory_space<vmem>>) semaphore(%arg24 : memref<!tpu.dma_semaphore, #tpu.memory_space<semaphore_mem>>) {add = true}
      "tpu.region"() ({
        %run_scoped3A = tpu.sem_alloc : memref<!tpu.dma_semaphore, #tpu.memory_space<semaphore_mem>>
        %dma_start3A_489 = arith.constant 0 : i32
        %dma_start3A_490 = arith.constant 0 : i32
        %dma_start3A_491 = tpu.memref_slice %arg16[%dma_start3A_489, %dma_start3A_490] : memref<10240x128xf32, #tpu.memory_space<vmem_shared>> -> memref<10240x128xf32, #tpu.memory_space<vmem_shared>>
        tpu.enqueue_indirect_dma source(%arg12 : memref<80x128xf32, #tpu.memory_space<vmem>>) target(%dma_start3A_491 : memref<10240x128xf32, #tpu.memory_space<vmem_shared>>) offsets(%arg9 : memref<80xi32, #tpu.memory_space<vmem>>) semaphore(%run_scoped3A : memref<!tpu.dma_semaphore, #tpu.memory_space<semaphore_mem>>) {add = true}
        %dma_wait3A_492 = arith.constant 0 : i32
        %dma_wait3A_493 = arith.constant 0 : i32
        %dma_wait3A_494 = tpu.memref_slice %arg16[%dma_wait3A_492, %dma_wait3A_493] : memref<10240x128xf32, #tpu.memory_space<vmem_shared>> -> memref<10240x128xf32, #tpu.memory_space<vmem_shared>>
        tpu.wait_indirect_dma semaphore(%run_scoped3A : memref<!tpu.dma_semaphore, #tpu.memory_space<semaphore_mem>>) src(%arg12 : memref<80x128xf32, #tpu.memory_space<vmem>>) dst(%dma_wait3A_494 : memref<10240x128xf32, #tpu.memory_space<vmem_shared>>)
        tpu.yield
      }) : () -> ()
      %add3A_454 = arith.constant 2 : i32
      %add3A_455 = arith.addi %add3A_387, %add3A_454 : i32
      %gt3A_456 = arith.constant 0 : i32
      %gt3A_457 = arith.cmpi sgt, %add3A_455, %gt3A_456 : i32
      %convert_element_type3A_458 = arith.extui %gt3A_457 : i1 to i32
      %cond3A_459 = arith.constant 0 : i32
      %cond3A_460 = arith.cmpi ne, %convert_element_type3A_458, %cond3A_459 : i32
      scf.if %cond3A_460 {
        %dma_wait3A_489 = arith.constant 0 : i32
        %dma_wait3A_490 = tpu.memref_slice %arg17[%dma_wait3A_489] : memref<10240xf32, #tpu.memory_space<vmem_shared>> -> memref<10240xf32, #tpu.memory_space<vmem_shared>>
        tpu.wait_indirect_dma semaphore(%arg24 : memref<!tpu.dma_semaphore, #tpu.memory_space<semaphore_mem>>) src(%arg14 : memref<80xf32, #tpu.memory_space<vmem>>) dst(%dma_wait3A_490 : memref<10240xf32, #tpu.memory_space<vmem_shared>>)
      } else {
      }
      %add3A_461 = arith.constant 3 : i32
      %add3A_462 = arith.addi %add3A_455, %add3A_461 : i32
      %sub3A_463 = arith.constant 1 : i32
      %sub3A_464 = arith.subi %add3A_462, %sub3A_463 : i32
      %mul3A_465 = arith.constant 80 : i32
      %mul3A_466 = arith.muli %sub3A_464, %mul3A_465 : i32
      %add3A_467 = arith.addi %mul3A_2, %mul3A_466 : i32
      %dma_start3A_468 = tpu.memref_slice %arg2[%add3A_467] : memref<320000xi32, #tpu.memory_space<hbm>> -> memref<80xi32, #tpu.memory_space<hbm>>
      %dma_start3A_469 = tpu.memref_slice %arg2[%add3A_467] : memref<320000xi32, #tpu.memory_space<hbm>> -> memref<80xi32, #tpu.memory_space<hbm>>
      tpu.enqueue_dma source(%dma_start3A_469 : memref<80xi32, #tpu.memory_space<hbm>>) target(%arg9 : memref<80xi32, #tpu.memory_space<vmem>>) target_semaphore(%arg22 : memref<!tpu.dma_semaphore, #tpu.memory_space<semaphore_mem>>)
      %mul3A_470 = arith.constant 80 : i32
      %mul3A_471 = arith.muli %sub3A_464, %mul3A_470 : i32
      %dma_start3A_472 = tpu.memref_slice %arg7[%mul3A_471] : memref<10000xi32, #tpu.memory_space<vmem>> -> memref<80xi32, #tpu.memory_space<vmem>>
      %dma_start3A_473 = arith.constant 0 : i32
      %dma_start3A_474 = arith.constant 0 : i32
      %dma_start3A_475 = tpu.memref_slice %arg4[%dma_start3A_473, %dma_start3A_474] : memref<10000x128xf32, #tpu.memory_space<hbm>> -> memref<10000x128xf32, #tpu.memory_space<hbm>>
      tpu.enqueue_indirect_dma source(%dma_start3A_475 : memref<10000x128xf32, #tpu.memory_space<hbm>>) target(%arg12 : memref<80x128xf32, #tpu.memory_space<vmem>>) offsets(%dma_start3A_472 : memref<80xi32, #tpu.memory_space<vmem>>) semaphore(%arg19 : memref<!tpu.dma_semaphore, #tpu.memory_space<semaphore_mem>>)
      %mul3A_476 = arith.constant 80 : i32
      %mul3A_477 = arith.muli %add3A_455, %mul3A_476 : i32
      %add3A_478 = arith.addi %mul3A_2, %mul3A_477 : i32
      %dma_wait3A_479 = tpu.memref_slice %arg2[%add3A_478] : memref<320000xi32, #tpu.memory_space<hbm>> -> memref<80xi32, #tpu.memory_space<hbm>>
      %dma_wait3A_480 = tpu.memref_slice %arg2[%add3A_478] : memref<320000xi32, #tpu.memory_space<hbm>> -> memref<80xi32, #tpu.memory_space<hbm>>
      tpu.wait_dma2 semaphore(%arg23 : memref<!tpu.dma_semaphore, #tpu.memory_space<semaphore_mem>>) src(%dma_wait3A_480 : memref<80xi32, #tpu.memory_space<hbm>>) dst(%arg10 : memref<80xi32, #tpu.memory_space<vmem>>)
      %mul3A_481 = arith.constant 80 : i32
      %mul3A_482 = arith.muli %add3A_455, %mul3A_481 : i32
      %dma_wait3A_483 = tpu.memref_slice %arg7[%mul3A_482] : memref<10000xi32, #tpu.memory_space<vmem>> -> memref<80xi32, #tpu.memory_space<vmem>>
      %dma_wait3A_484 = arith.constant 0 : i32
      %dma_wait3A_485 = arith.constant 0 : i32
      %dma_wait3A_486 = tpu.memref_slice %arg4[%dma_wait3A_484, %dma_wait3A_485] : memref<10000x128xf32, #tpu.memory_space<hbm>> -> memref<10000x128xf32, #tpu.memory_space<hbm>>
      tpu.wait_indirect_dma semaphore(%arg20 : memref<!tpu.dma_semaphore, #tpu.memory_space<semaphore_mem>>) src(%dma_wait3A_486 : memref<10000x128xf32, #tpu.memory_space<hbm>>) dst(%arg13 : memref<80x128xf32, #tpu.memory_space<vmem>>)
      %dma_start3A_487 = arith.constant 0 : i32
      %dma_start3A_488 = tpu.memref_slice %arg17[%dma_start3A_487] : memref<10240xf32, #tpu.memory_space<vmem_shared>> -> memref<10240xf32, #tpu.memory_space<vmem_shared>>
      tpu.enqueue_indirect_dma source(%arg14 : memref<80xf32, #tpu.memory_space<vmem>>) target(%dma_start3A_488 : memref<10240xf32, #tpu.memory_space<vmem_shared>>) offsets(%arg10 : memref<80xi32, #tpu.memory_space<vmem>>) semaphore(%arg24 : memref<!tpu.dma_semaphore, #tpu.memory_space<semaphore_mem>>) {add = true}
      "tpu.region"() ({
        %run_scoped3A = tpu.sem_alloc : memref<!tpu.dma_semaphore, #tpu.memory_space<semaphore_mem>>
        %dma_start3A_489 = arith.constant 0 : i32
        %dma_start3A_490 = arith.constant 0 : i32
        %dma_start3A_491 = tpu.memref_slice %arg16[%dma_start3A_489, %dma_start3A_490] : memref<10240x128xf32, #tpu.memory_space<vmem_shared>> -> memref<10240x128xf32, #tpu.memory_space<vmem_shared>>
        tpu.enqueue_indirect_dma source(%arg13 : memref<80x128xf32, #tpu.memory_space<vmem>>) target(%dma_start3A_491 : memref<10240x128xf32, #tpu.memory_space<vmem_shared>>) offsets(%arg10 : memref<80xi32, #tpu.memory_space<vmem>>) semaphore(%run_scoped3A : memref<!tpu.dma_semaphore, #tpu.memory_space<semaphore_mem>>) {add = true}
        %dma_wait3A_492 = arith.constant 0 : i32
        %dma_wait3A_493 = arith.constant 0 : i32
        %dma_wait3A_494 = tpu.memref_slice %arg16[%dma_wait3A_492, %dma_wait3A_493] : memref<10240x128xf32, #tpu.memory_space<vmem_shared>> -> memref<10240x128xf32, #tpu.memory_space<vmem_shared>>
        tpu.wait_indirect_dma semaphore(%run_scoped3A : memref<!tpu.dma_semaphore, #tpu.memory_space<semaphore_mem>>) src(%arg13 : memref<80x128xf32, #tpu.memory_space<vmem>>) dst(%dma_wait3A_494 : memref<10240x128xf32, #tpu.memory_space<vmem_shared>>)
        tpu.yield
      }) : () -> ()
    }
    %scan3A_345 = arith.constant 41 : i32
    %dma_wait3A_346 = arith.constant 0 : i32
    %dma_wait3A_347 = tpu.memref_slice %arg17[%dma_wait3A_346] : memref<10240xf32, #tpu.memory_space<vmem_shared>> -> memref<10240xf32, #tpu.memory_space<vmem_shared>>
    tpu.wait_indirect_dma semaphore(%arg24 : memref<!tpu.dma_semaphore, #tpu.memory_space<semaphore_mem>>) src(%arg14 : memref<80xf32, #tpu.memory_space<vmem>>) dst(%dma_wait3A_347 : memref<10240xf32, #tpu.memory_space<vmem_shared>>)
    %add3A_348 = arith.constant 9840 : i32
    %add3A_349 = arith.addi %mul3A_2, %add3A_348 : i32
    %dma_wait3A_350 = tpu.memref_slice %arg2[%add3A_349] : memref<320000xi32, #tpu.memory_space<hbm>> -> memref<80xi32, #tpu.memory_space<hbm>>
    %dma_wait3A_351 = tpu.memref_slice %arg2[%add3A_349] : memref<320000xi32, #tpu.memory_space<hbm>> -> memref<80xi32, #tpu.memory_space<hbm>>
    tpu.wait_dma2 semaphore(%arg21 : memref<!tpu.dma_semaphore, #tpu.memory_space<semaphore_mem>>) src(%dma_wait3A_351 : memref<80xi32, #tpu.memory_space<hbm>>) dst(%arg8 : memref<80xi32, #tpu.memory_space<vmem>>)
    %dma_wait3A_352 = arith.constant 9840 : i32
    %dma_wait3A_353 = tpu.memref_slice %arg7[%dma_wait3A_352] : memref<10000xi32, #tpu.memory_space<vmem>> -> memref<80xi32, #tpu.memory_space<vmem>>
    %dma_wait3A_354 = arith.constant 0 : i32
    %dma_wait3A_355 = arith.constant 0 : i32
    %dma_wait3A_356 = tpu.memref_slice %arg4[%dma_wait3A_354, %dma_wait3A_355] : memref<10000x128xf32, #tpu.memory_space<hbm>> -> memref<10000x128xf32, #tpu.memory_space<hbm>>
    tpu.wait_indirect_dma semaphore(%arg18 : memref<!tpu.dma_semaphore, #tpu.memory_space<semaphore_mem>>) src(%dma_wait3A_356 : memref<10000x128xf32, #tpu.memory_space<hbm>>) dst(%arg11 : memref<80x128xf32, #tpu.memory_space<vmem>>)
    %dma_start3A_357 = arith.constant 0 : i32
    %dma_start3A_358 = tpu.memref_slice %arg17[%dma_start3A_357] : memref<10240xf32, #tpu.memory_space<vmem_shared>> -> memref<10240xf32, #tpu.memory_space<vmem_shared>>
    tpu.enqueue_indirect_dma source(%arg14 : memref<80xf32, #tpu.memory_space<vmem>>) target(%dma_start3A_358 : memref<10240xf32, #tpu.memory_space<vmem_shared>>) offsets(%arg8 : memref<80xi32, #tpu.memory_space<vmem>>) semaphore(%arg24 : memref<!tpu.dma_semaphore, #tpu.memory_space<semaphore_mem>>) {add = true}
    "tpu.region"() ({
      %run_scoped3A = tpu.sem_alloc : memref<!tpu.dma_semaphore, #tpu.memory_space<semaphore_mem>>
      %dma_start3A_383 = arith.constant 0 : i32
      %dma_start3A_384 = arith.constant 0 : i32
      %dma_start3A_385 = tpu.memref_slice %arg16[%dma_start3A_383, %dma_start3A_384] : memref<10240x128xf32, #tpu.memory_space<vmem_shared>> -> memref<10240x128xf32, #tpu.memory_space<vmem_shared>>
      tpu.enqueue_indirect_dma source(%arg11 : memref<80x128xf32, #tpu.memory_space<vmem>>) target(%dma_start3A_385 : memref<10240x128xf32, #tpu.memory_space<vmem_shared>>) offsets(%arg8 : memref<80xi32, #tpu.memory_space<vmem>>) semaphore(%run_scoped3A : memref<!tpu.dma_semaphore, #tpu.memory_space<semaphore_mem>>) {add = true}
      %dma_wait3A_386 = arith.constant 0 : i32
      %dma_wait3A_387 = arith.constant 0 : i32
      %dma_wait3A_388 = tpu.memref_slice %arg16[%dma_wait3A_386, %dma_wait3A_387] : memref<10240x128xf32, #tpu.memory_space<vmem_shared>> -> memref<10240x128xf32, #tpu.memory_space<vmem_shared>>
      tpu.wait_indirect_dma semaphore(%run_scoped3A : memref<!tpu.dma_semaphore, #tpu.memory_space<semaphore_mem>>) src(%arg11 : memref<80x128xf32, #tpu.memory_space<vmem>>) dst(%dma_wait3A_388 : memref<10240x128xf32, #tpu.memory_space<vmem_shared>>)
      tpu.yield
    }) : () -> ()
    %dma_wait3A_359 = arith.constant 0 : i32
    %dma_wait3A_360 = tpu.memref_slice %arg17[%dma_wait3A_359] : memref<10240xf32, #tpu.memory_space<vmem_shared>> -> memref<10240xf32, #tpu.memory_space<vmem_shared>>
    tpu.wait_indirect_dma semaphore(%arg24 : memref<!tpu.dma_semaphore, #tpu.memory_space<semaphore_mem>>) src(%arg14 : memref<80xf32, #tpu.memory_space<vmem>>) dst(%dma_wait3A_360 : memref<10240xf32, #tpu.memory_space<vmem_shared>>)
    %add3A_361 = arith.constant 9920 : i32
    %add3A_362 = arith.addi %mul3A_2, %add3A_361 : i32
    %dma_wait3A_363 = tpu.memref_slice %arg2[%add3A_362] : memref<320000xi32, #tpu.memory_space<hbm>> -> memref<80xi32, #tpu.memory_space<hbm>>
    %dma_wait3A_364 = tpu.memref_slice %arg2[%add3A_362] : memref<320000xi32, #tpu.memory_space<hbm>> -> memref<80xi32, #tpu.memory_space<hbm>>
    tpu.wait_dma2 semaphore(%arg22 : memref<!tpu.dma_semaphore, #tpu.memory_space<semaphore_mem>>) src(%dma_wait3A_364 : memref<80xi32, #tpu.memory_space<hbm>>) dst(%arg9 : memref<80xi32, #tpu.memory_space<vmem>>)
    %dma_wait3A_365 = arith.constant 9920 : i32
    %dma_wait3A_366 = tpu.memref_slice %arg7[%dma_wait3A_365] : memref<10000xi32, #tpu.memory_space<vmem>> -> memref<80xi32, #tpu.memory_space<vmem>>
    %dma_wait3A_367 = arith.constant 0 : i32
    %dma_wait3A_368 = arith.constant 0 : i32
    %dma_wait3A_369 = tpu.memref_slice %arg4[%dma_wait3A_367, %dma_wait3A_368] : memref<10000x128xf32, #tpu.memory_space<hbm>> -> memref<10000x128xf32, #tpu.memory_space<hbm>>
    tpu.wait_indirect_dma semaphore(%arg19 : memref<!tpu.dma_semaphore, #tpu.memory_space<semaphore_mem>>) src(%dma_wait3A_369 : memref<10000x128xf32, #tpu.memory_space<hbm>>) dst(%arg12 : memref<80x128xf32, #tpu.memory_space<vmem>>)
    %dma_start3A_370 = arith.constant 0 : i32
    %dma_start3A_371 = tpu.memref_slice %arg17[%dma_start3A_370] : memref<10240xf32, #tpu.memory_space<vmem_shared>> -> memref<10240xf32, #tpu.memory_space<vmem_shared>>
    tpu.enqueue_indirect_dma source(%arg14 : memref<80xf32, #tpu.memory_space<vmem>>) target(%dma_start3A_371 : memref<10240xf32, #tpu.memory_space<vmem_shared>>) offsets(%arg9 : memref<80xi32, #tpu.memory_space<vmem>>) semaphore(%arg24 : memref<!tpu.dma_semaphore, #tpu.memory_space<semaphore_mem>>) {add = true}
    "tpu.region"() ({
      %run_scoped3A = tpu.sem_alloc : memref<!tpu.dma_semaphore, #tpu.memory_space<semaphore_mem>>
      %dma_start3A_383 = arith.constant 0 : i32
      %dma_start3A_384 = arith.constant 0 : i32
      %dma_start3A_385 = tpu.memref_slice %arg16[%dma_start3A_383, %dma_start3A_384] : memref<10240x128xf32, #tpu.memory_space<vmem_shared>> -> memref<10240x128xf32, #tpu.memory_space<vmem_shared>>
      tpu.enqueue_indirect_dma source(%arg12 : memref<80x128xf32, #tpu.memory_space<vmem>>) target(%dma_start3A_385 : memref<10240x128xf32, #tpu.memory_space<vmem_shared>>) offsets(%arg9 : memref<80xi32, #tpu.memory_space<vmem>>) semaphore(%run_scoped3A : memref<!tpu.dma_semaphore, #tpu.memory_space<semaphore_mem>>) {add = true}
      %dma_wait3A_386 = arith.constant 0 : i32
      %dma_wait3A_387 = arith.constant 0 : i32
      %dma_wait3A_388 = tpu.memref_slice %arg16[%dma_wait3A_386, %dma_wait3A_387] : memref<10240x128xf32, #tpu.memory_space<vmem_shared>> -> memref<10240x128xf32, #tpu.memory_space<vmem_shared>>
      tpu.wait_indirect_dma semaphore(%run_scoped3A : memref<!tpu.dma_semaphore, #tpu.memory_space<semaphore_mem>>) src(%arg12 : memref<80x128xf32, #tpu.memory_space<vmem>>) dst(%dma_wait3A_388 : memref<10240x128xf32, #tpu.memory_space<vmem_shared>>)
      tpu.yield
    }) : () -> ()
    %dma_wait3A_372 = arith.constant 0 : i32
    %dma_wait3A_373 = tpu.memref_slice %arg17[%dma_wait3A_372] : memref<10240xf32, #tpu.memory_space<vmem_shared>> -> memref<10240xf32, #tpu.memory_space<vmem_shared>>
    tpu.wait_indirect_dma semaphore(%arg24 : memref<!tpu.dma_semaphore, #tpu.memory_space<semaphore_mem>>) src(%arg14 : memref<80xf32, #tpu.memory_space<vmem>>) dst(%dma_wait3A_373 : memref<10240xf32, #tpu.memory_space<vmem_shared>>)
    %barrier3A_374 = arith.constant 0 : index
    tpu.barrier barrier_id(%barrier3A_374)
    %mul3A_375 = arith.constant 640 : i32
    %mul3A_376 = arith.muli %arg1, %mul3A_375 : i32
    %mul3A_377 = arith.constant 640 : i32
    %mul3A_378 = arith.muli %arg1, %mul3A_377 : i32
    "tpu.region"() ({
      %run_scoped3A = tpu.sem_alloc : memref<!tpu.dma_semaphore, #tpu.memory_space<semaphore_mem>>
      %dma_start3A_383 = arith.constant 0 : i32
      %dma_start3A_384 = arith.constant 0 : i32
      %dma_start3A_385 = tpu.memref_slice %arg5[%arg0, %dma_start3A_383, %dma_start3A_384] : memref<2x10240x128xf32, #tpu.memory_space<hbm>> -> memref<1x10240x128xf32, #tpu.memory_space<hbm>>
      %dma_start3A_386 = tpu.memref_squeeze %dma_start3A_385 : memref<1x10240x128xf32, #tpu.memory_space<hbm>> -> memref<10240x128xf32, #tpu.memory_space<hbm>>
      %dma_start3A_387 = arith.constant 0 : i32
      %dma_start3A_388 = tpu.memref_slice %dma_start3A_386[%mul3A_378, %dma_start3A_387] : memref<10240x128xf32, #tpu.memory_space<hbm>> -> memref<640x128xf32, #tpu.memory_space<hbm>>
      %dma_start3A_389 = arith.constant 0 : i32
      %dma_start3A_390 = tpu.memref_slice %arg16[%mul3A_376, %dma_start3A_389] : memref<10240x128xf32, #tpu.memory_space<vmem_shared>> -> memref<640x128xf32, #tpu.memory_space<vmem_shared>>
      tpu.enqueue_dma source(%dma_start3A_390 : memref<640x128xf32, #tpu.memory_space<vmem_shared>>) target(%dma_start3A_388 : memref<640x128xf32, #tpu.memory_space<hbm>>) target_semaphore(%run_scoped3A : memref<!tpu.dma_semaphore, #tpu.memory_space<semaphore_mem>>)
      %dma_wait3A_391 = arith.constant 0 : i32
      %dma_wait3A_392 = arith.constant 0 : i32
      %dma_wait3A_393 = tpu.memref_slice %arg5[%arg0, %dma_wait3A_391, %dma_wait3A_392] : memref<2x10240x128xf32, #tpu.memory_space<hbm>> -> memref<1x10240x128xf32, #tpu.memory_space<hbm>>
      %dma_wait3A_394 = tpu.memref_squeeze %dma_wait3A_393 : memref<1x10240x128xf32, #tpu.memory_space<hbm>> -> memref<10240x128xf32, #tpu.memory_space<hbm>>
      %dma_wait3A_395 = arith.constant 0 : i32
      %dma_wait3A_396 = tpu.memref_slice %dma_wait3A_394[%mul3A_378, %dma_wait3A_395] : memref<10240x128xf32, #tpu.memory_space<hbm>> -> memref<640x128xf32, #tpu.memory_space<hbm>>
      %dma_wait3A_397 = arith.constant 0 : i32
      %dma_wait3A_398 = tpu.memref_slice %arg16[%mul3A_376, %dma_wait3A_397] : memref<10240x128xf32, #tpu.memory_space<vmem_shared>> -> memref<640x128xf32, #tpu.memory_space<vmem_shared>>
      tpu.wait_dma2 semaphore(%run_scoped3A : memref<!tpu.dma_semaphore, #tpu.memory_space<semaphore_mem>>) src(%dma_wait3A_398 : memref<640x128xf32, #tpu.memory_space<vmem_shared>>) dst(%dma_wait3A_396 : memref<640x128xf32, #tpu.memory_space<hbm>>)
      tpu.yield
    }) : () -> ()
    %mul3A_379 = arith.constant 640 : i32
    %mul3A_380 = arith.muli %arg1, %mul3A_379 : i32
    %mul3A_381 = arith.constant 640 : i32
    %mul3A_382 = arith.muli %arg1, %mul3A_381 : i32
    "tpu.region"() ({
      %run_scoped3A = tpu.sem_alloc : memref<!tpu.dma_semaphore, #tpu.memory_space<semaphore_mem>>
      %dma_start3A_383 = arith.constant 0 : i32
      %dma_start3A_384 = tpu.memref_slice %arg6[%arg0, %dma_start3A_383] : memref<2x10240xf32, #tpu.memory_space<hbm>> -> memref<1x10240xf32, #tpu.memory_space<hbm>>
      %dma_start3A_385 = tpu.memref_squeeze %dma_start3A_384 : memref<1x10240xf32, #tpu.memory_space<hbm>> -> memref<10240xf32, #tpu.memory_space<hbm>>
      %dma_start3A_386 = tpu.memref_slice %dma_start3A_385[%mul3A_382] : memref<10240xf32, #tpu.memory_space<hbm>> -> memref<640xf32, #tpu.memory_space<hbm>>
      %dma_start3A_387 = tpu.memref_slice %arg17[%mul3A_380] : memref<10240xf32, #tpu.memory_space<vmem_shared>> -> memref<640xf32, #tpu.memory_space<vmem_shared>>
      tpu.enqueue_dma source(%dma_start3A_387 : memref<640xf32, #tpu.memory_space<vmem_shared>>) target(%dma_start3A_386 : memref<640xf32, #tpu.memory_space<hbm>>) target_semaphore(%run_scoped3A : memref<!tpu.dma_semaphore, #tpu.memory_space<semaphore_mem>>)
      %dma_wait3A_388 = arith.constant 0 : i32
      %dma_wait3A_389 = tpu.memref_slice %arg6[%arg0, %dma_wait3A_388] : memref<2x10240xf32, #tpu.memory_space<hbm>> -> memref<1x10240xf32, #tpu.memory_space<hbm>>
      %dma_wait3A_390 = tpu.memref_squeeze %dma_wait3A_389 : memref<1x10240xf32, #tpu.memory_space<hbm>> -> memref<10240xf32, #tpu.memory_space<hbm>>
      %dma_wait3A_391 = tpu.memref_slice %dma_wait3A_390[%mul3A_382] : memref<10240xf32, #tpu.memory_space<hbm>> -> memref<640xf32, #tpu.memory_space<hbm>>
      %dma_wait3A_392 = tpu.memref_slice %arg17[%mul3A_380] : memref<10240xf32, #tpu.memory_space<vmem_shared>> -> memref<640xf32, #tpu.memory_space<vmem_shared>>
      tpu.wait_dma2 semaphore(%run_scoped3A : memref<!tpu.dma_semaphore, #tpu.memory_space<semaphore_mem>>) src(%dma_wait3A_392 : memref<640xf32, #tpu.memory_space<vmem_shared>>) dst(%dma_wait3A_391 : memref<640xf32, #tpu.memory_space<hbm>>)
      tpu.yield
    }) : () -> ()
    return
  }
}

module attributes {stable_mosaic.version = 14 : i64} {
  func.func @body(%arg0: i32, %arg1: memref<2000x128xf32, #tpu.memory_space<vmem>>, %arg2: memref<128x128xf32, #tpu.memory_space<vmem>>, %arg3: memref<1x128xf32, #tpu.memory_space<vmem>>, %arg4: memref<2000x128xf32, #tpu.memory_space<vmem>>) attributes {dimension_semantics = [#tpu.dimension_semantics<arbitrary>], iteration_bounds = array<i64: 5>, scalar_prefetch = 0 : i64, scratch_operands = 0 : i64, tpu.core_type = #tpu.core_type<tc>, window_params = [{transform_indices = @transform_0, window_bounds = array<i64: 2000, 128>}, {pipeline_mode = #tpu.pipeline_mode<synchronous>, transform_indices = @transform_1, window_bounds = array<i64: 128, 128>}, {pipeline_mode = #tpu.pipeline_mode<synchronous>, transform_indices = @transform_2, window_bounds = array<i64: 1, 128>}, {transform_indices = @transform_3, window_bounds = array<i64: 2000, 128>}]} {
    %get3A = arith.constant 0 : index
    %get3A_0 = arith.constant 0 : index
    %get3A_1 = vector.load %arg1[%get3A, %get3A_0] : memref<2000x128xf32, #tpu.memory_space<vmem>>, vector<2000x128xf32>
    %get3A_2 = arith.constant 0 : index
    %get3A_3 = arith.constant 0 : index
    %get3A_4 = vector.load %arg2[%get3A_2, %get3A_3] : memref<128x128xf32, #tpu.memory_space<vmem>>, vector<128x128xf32>
    %dot_general3A = arith.constant dense<0.000000e+00> : vector<2000x128xf32>
    %dot_general3A_5 = tpu.matmul %get3A_1, %get3A_4, %dot_general3A {dimension_numbers = #tpu.dot_dimension_numbers<[1], [1], [0], [0], [0, 0, 1, 0], [], []>, transpose_lhs_hint = false} : vector<2000x128xf32>, vector<128x128xf32>, vector<2000x128xf32> -> vector<2000x128xf32>
    %get3A_6 = arith.constant 0 : index
    %get3A_7 = arith.constant 0 : index
    %get3A_8 = vector.load %arg3[%get3A_6, %get3A_7] : memref<1x128xf32, #tpu.memory_space<vmem>>, vector<1x128xf32>
    %add3A = vector.broadcast %get3A_8 : vector<1x128xf32> to vector<2000x128xf32>
    %add3A_9 = arith.addf %dot_general3A_5, %add3A : vector<2000x128xf32>
    %swap3A = arith.constant 0 : index
    %swap3A_10 = arith.constant 0 : index
    %swap3A_11 = vector.load %arg4[%swap3A, %swap3A_10] : memref<2000x128xf32, #tpu.memory_space<vmem>>, vector<2000x128xf32>
    tpu.vector_store %arg4[%swap3A, %swap3A_10], %add3A_9 {strides = array<i32>} : memref<2000x128xf32, #tpu.memory_space<vmem>>, vector<2000x128xf32>,
    return
  }
  func.func @transform_0(%arg0: i32) -> (i32, i32) {
    %c0_i32 = arith.constant 0 : i32
    %c0_i32_0 = arith.constant 0 : i32
    return %arg0, %c0_i32 : i32, i32
  }
  func.func @transform_1(%arg0: i32) -> (i32, i32) {
    %c0_i32 = arith.constant 0 : i32
    %c0_i32_0 = arith.constant 0 : i32
    %c0_i32_1 = arith.constant 0 : i32
    return %c0_i32, %c0_i32_0 : i32, i32
  }
  func.func @transform_2(%arg0: i32) -> (i32, i32) {
    %c0_i32 = arith.constant 0 : i32
    %c0_i32_0 = arith.constant 0 : i32
    %c0_i32_1 = arith.constant 0 : i32
    return %c0_i32, %c0_i32_0 : i32, i32
  }
  func.func @transform_3(%arg0: i32) -> (i32, i32) {
    %c0_i32 = arith.constant 0 : i32
    %c0_i32_0 = arith.constant 0 : i32
    return %arg0, %c0_i32 : i32, i32
  }
}

module attributes {stable_mosaic.version = 14 : i64} {
  func.func @body(%arg0: i32, %arg1: memref<2000x128xf32, #tpu.memory_space<vmem>>, %arg2: memref<2000x128xf32, #tpu.memory_space<vmem>>, %arg3: memref<1x2000x128xf32, #tpu.memory_space<vmem>>, %arg4: memref<1x2000x128xf32, #tpu.memory_space<vmem>>, %arg5: memref<2000x1xf32, #tpu.memory_space<vmem>>, %arg6: memref<2000x1xf32, #tpu.memory_space<vmem>>, %arg7: memref<2000x1xf32, #tpu.memory_space<vmem>>, %arg8: memref<128x128xf32, #tpu.memory_space<vmem>>, %arg9: memref<1x128xf32, #tpu.memory_space<vmem>>, %arg10: memref<128x128xf32, #tpu.memory_space<vmem>>, %arg11: memref<1x128xf32, #tpu.memory_space<vmem>>, %arg12: memref<128x128xf32, #tpu.memory_space<vmem>>, %arg13: memref<1x128xf32, #tpu.memory_space<vmem>>, %arg14: memref<2000x128xf32, #tpu.memory_space<vmem>>) attributes {dimension_semantics = [#tpu.dimension_semantics<arbitrary>], iteration_bounds = array<i64: 5>, scalar_prefetch = 0 : i64, scratch_operands = 0 : i64, tpu.core_type = #tpu.core_type<tc>, window_params = [{transform_indices = @transform_0, window_bounds = array<i64: 2000, 128>}, {transform_indices = @transform_1, window_bounds = array<i64: 2000, 128>}, {transform_indices = @transform_2, window_bounds = array<i64: 1, 2000, 128>}, {transform_indices = @transform_3, window_bounds = array<i64: 1, 2000, 128>}, {transform_indices = @transform_4, window_bounds = array<i64: 2000, 1>}, {transform_indices = @transform_5, window_bounds = array<i64: 2000, 1>}, {transform_indices = @transform_6, window_bounds = array<i64: 2000, 1>}, {pipeline_mode = #tpu.pipeline_mode<synchronous>, transform_indices = @transform_7, window_bounds = array<i64: 128, 128>}, {pipeline_mode = #tpu.pipeline_mode<synchronous>, transform_indices = @transform_8, window_bounds = array<i64: 1, 128>}, {pipeline_mode = #tpu.pipeline_mode<synchronous>, transform_indices = @transform_9, window_bounds = array<i64: 128, 128>}, {pipeline_mode = #tpu.pipeline_mode<synchronous>, transform_indices = @transform_10, window_bounds = array<i64: 1, 128>}, {pipeline_mode = #tpu.pipeline_mode<synchronous>, transform_indices = @transform_11, window_bounds = array<i64: 128, 128>}, {pipeline_mode = #tpu.pipeline_mode<synchronous>, transform_indices = @transform_12, window_bounds = array<i64: 1, 128>}, {transform_indices = @transform_13, window_bounds = array<i64: 2000, 128>}]} {
    %get3A = arith.constant 0 : index
    %get3A_0 = arith.constant 0 : index
    %get3A_1 = vector.load %arg1[%get3A, %get3A_0] : memref<2000x128xf32, #tpu.memory_space<vmem>>, vector<2000x128xf32>
    %get3A_2 = arith.constant 0 : index
    %get3A_3 = arith.constant 0 : index
    %get3A_4 = vector.load %arg8[%get3A_2, %get3A_3] : memref<128x128xf32, #tpu.memory_space<vmem>>, vector<128x128xf32>
    %dot_general3A = arith.constant dense<0.000000e+00> : vector<2000x128xf32>
    %dot_general3A_5 = tpu.matmul %get3A_1, %get3A_4, %dot_general3A {dimension_numbers = #tpu.dot_dimension_numbers<[1], [1], [0], [0], [0, 0, 1, 0], [], []>, transpose_lhs_hint = false} : vector<2000x128xf32>, vector<128x128xf32>, vector<2000x128xf32> -> vector<2000x128xf32>
    %get3A_6 = arith.constant 0 : index
    %get3A_7 = arith.constant 0 : index
    %get3A_8 = vector.load %arg9[%get3A_6, %get3A_7] : memref<1x128xf32, #tpu.memory_space<vmem>>, vector<1x128xf32>
    %add3A = vector.broadcast %get3A_8 : vector<1x128xf32> to vector<2000x128xf32>
    %add3A_9 = arith.addf %dot_general3A_5, %add3A : vector<2000x128xf32>
    %max3A = arith.constant 0.000000e+00 : f32
    %max3A_10 = vector.broadcast %max3A : f32 to vector<2000x128xf32>
    %max3A_11 = arith.maximumf %add3A_9, %max3A_10 : vector<2000x128xf32>
    %get3A_12 = arith.constant 0 : index
    %get3A_13 = arith.constant 0 : index
    %get3A_14 = vector.load %arg10[%get3A_12, %get3A_13] : memref<128x128xf32, #tpu.memory_space<vmem>>, vector<128x128xf32>
    %dot_general3A_15 = arith.constant dense<0.000000e+00> : vector<2000x128xf32>
    %dot_general3A_16 = tpu.matmul %get3A_1, %get3A_14, %dot_general3A_15 {dimension_numbers = #tpu.dot_dimension_numbers<[1], [1], [0], [0], [0, 0, 1, 0], [], []>, transpose_lhs_hint = false} : vector<2000x128xf32>, vector<128x128xf32>, vector<2000x128xf32> -> vector<2000x128xf32>
    %get3A_17 = arith.constant 0 : index
    %get3A_18 = arith.constant 0 : index
    %get3A_19 = vector.load %arg11[%get3A_17, %get3A_18] : memref<1x128xf32, #tpu.memory_space<vmem>>, vector<1x128xf32>
    %add3A_20 = vector.broadcast %get3A_19 : vector<1x128xf32> to vector<2000x128xf32>
    %add3A_21 = arith.addf %dot_general3A_16, %add3A_20 : vector<2000x128xf32>
    %max3A_22 = arith.constant 0.000000e+00 : f32
    %max3A_23 = vector.broadcast %max3A_22 : f32 to vector<2000x128xf32>
    %max3A_24 = arith.maximumf %add3A_21, %max3A_23 : vector<2000x128xf32>
    %get3A_25 = arith.constant 0 : index
    %get3A_26 = arith.constant 0 : index
    %get3A_27 = vector.load %arg12[%get3A_25, %get3A_26] : memref<128x128xf32, #tpu.memory_space<vmem>>, vector<128x128xf32>
    %dot_general3A_28 = arith.constant dense<0.000000e+00> : vector<2000x128xf32>
    %dot_general3A_29 = tpu.matmul %get3A_1, %get3A_27, %dot_general3A_28 {dimension_numbers = #tpu.dot_dimension_numbers<[1], [1], [0], [0], [0, 0, 1, 0], [], []>, transpose_lhs_hint = false} : vector<2000x128xf32>, vector<128x128xf32>, vector<2000x128xf32> -> vector<2000x128xf32>
    %get3A_30 = arith.constant 0 : index
    %get3A_31 = arith.constant 0 : index
    %get3A_32 = vector.load %arg13[%get3A_30, %get3A_31] : memref<1x128xf32, #tpu.memory_space<vmem>>, vector<1x128xf32>
    %add3A_33 = vector.broadcast %get3A_32 : vector<1x128xf32> to vector<2000x128xf32>
    %add3A_34 = arith.addf %dot_general3A_29, %add3A_33 : vector<2000x128xf32>
    %get3A_35 = arith.constant 0 : index
    %get3A_36 = arith.constant 0 : index
    %get3A_37 = vector.load %arg5[%get3A_35, %get3A_36] : memref<2000x1xf32, #tpu.memory_space<vmem>>, vector<2000x1xf32>
    %get3A_38 = arith.constant 0 : index
    %get3A_39 = arith.constant 0 : index
    %get3A_40 = vector.load %arg6[%get3A_38, %get3A_39] : memref<2000x1xf32, #tpu.memory_space<vmem>>, vector<2000x1xf32>
    %add3A_41 = arith.addf %get3A_37, %get3A_40 : vector<2000x1xf32>
    %get3A_42 = arith.constant 0 : index
    %get3A_43 = arith.constant 0 : index
    %get3A_44 = vector.load %arg2[%get3A_42, %get3A_43] : memref<2000x128xf32, #tpu.memory_space<vmem>>, vector<2000x128xf32>
    %mul3A = vector.broadcast %add3A_41 : vector<2000x1xf32> to vector<2000x128xf32>
    %mul3A_45 = arith.mulf %mul3A, %get3A_44 : vector<2000x128xf32>
    %get3A_46 = arith.constant 0 : index
    %get3A_47 = arith.constant 0 : index
    %get3A_48 = arith.constant 0 : index
    %get3A_49 = vector.load %arg3[%get3A_46, %get3A_47, %get3A_48] : memref<1x2000x128xf32, #tpu.memory_space<vmem>>, vector<1x2000x128xf32>
    %get3A_50 = vector.shape_cast %get3A_49 : vector<1x2000x128xf32> to vector<2000x128xf32>
    %add3A_51 = arith.addf %mul3A_45, %get3A_50 : vector<2000x128xf32>
    %get3A_52 = arith.constant 0 : index
    %get3A_53 = arith.constant 0 : index
    %get3A_54 = arith.constant 0 : index
    %get3A_55 = vector.load %arg4[%get3A_52, %get3A_53, %get3A_54] : memref<1x2000x128xf32, #tpu.memory_space<vmem>>, vector<1x2000x128xf32>
    %get3A_56 = vector.shape_cast %get3A_55 : vector<1x2000x128xf32> to vector<2000x128xf32>
    %add3A_57 = arith.addf %add3A_51, %get3A_56 : vector<2000x128xf32>
    %mul3A_58 = arith.mulf %max3A_24, %add3A_57 : vector<2000x128xf32>
    %add3A_59 = arith.addf %mul3A_58, %add3A_34 : vector<2000x128xf32>
    %get3A_60 = arith.constant 0 : index
    %get3A_61 = arith.constant 0 : index
    %get3A_62 = vector.load %arg7[%get3A_60, %get3A_61] : memref<2000x1xf32, #tpu.memory_space<vmem>>, vector<2000x1xf32>
    %mul3A_63 = vector.broadcast %get3A_62 : vector<2000x1xf32> to vector<2000x128xf32>
    %mul3A_64 = arith.mulf %max3A_24, %mul3A_63 : vector<2000x128xf32>
    %add3A_65 = arith.addf %max3A_11, %mul3A_64 : vector<2000x128xf32>
    %add3A_66 = arith.constant 9.99999993E-9 : f32
    %add3A_67 = vector.broadcast %add3A_66 : f32 to vector<2000x128xf32>
    %add3A_68 = arith.addf %add3A_65, %add3A_67 : vector<2000x128xf32>
    %div3A = arith.divf %add3A_59, %add3A_68 : vector<2000x128xf32>
    %swap3A = arith.constant 0 : index
    %swap3A_69 = arith.constant 0 : index
    %swap3A_70 = vector.load %arg14[%swap3A, %swap3A_69] : memref<2000x128xf32, #tpu.memory_space<vmem>>, vector<2000x128xf32>
    tpu.vector_store %arg14[%swap3A, %swap3A_69], %div3A {strides = array<i32>} : memref<2000x128xf32, #tpu.memory_space<vmem>>, vector<2000x128xf32>,
    return
  }
  func.func @transform_0(%arg0: i32) -> (i32, i32) {
    %c0_i32 = arith.constant 0 : i32
    %c0_i32_0 = arith.constant 0 : i32
    return %arg0, %c0_i32 : i32, i32
  }
  func.func @transform_1(%arg0: i32) -> (i32, i32) {
    %c0_i32 = arith.constant 0 : i32
    %c0_i32_0 = arith.constant 0 : i32
    return %arg0, %c0_i32 : i32, i32
  }
  func.func @transform_2(%arg0: i32) -> (i32, i32, i32) {
    %c0_i32 = arith.constant 0 : i32
    %c0_i32_0 = arith.constant 0 : i32
    %c0_i32_1 = arith.constant 0 : i32
    return %c0_i32, %arg0, %c0_i32_0 : i32, i32, i32
  }
  func.func @transform_3(%arg0: i32) -> (i32, i32, i32) {
    %c1_i32 = arith.constant 1 : i32
    %c0_i32 = arith.constant 0 : i32
    %c0_i32_0 = arith.constant 0 : i32
    return %c1_i32, %arg0, %c0_i32 : i32, i32, i32
  }
  func.func @transform_4(%arg0: i32) -> (i32, i32) {
    %c0_i32 = arith.constant 0 : i32
    %c0_i32_0 = arith.constant 0 : i32
    return %arg0, %c0_i32 : i32, i32
  }
  func.func @transform_5(%arg0: i32) -> (i32, i32) {
    %c0_i32 = arith.constant 0 : i32
    %c0_i32_0 = arith.constant 0 : i32
    return %arg0, %c0_i32 : i32, i32
  }
  func.func @transform_6(%arg0: i32) -> (i32, i32) {
    %c0_i32 = arith.constant 0 : i32
    %c0_i32_0 = arith.constant 0 : i32
    return %arg0, %c0_i32 : i32, i32
  }
  func.func @transform_7(%arg0: i32) -> (i32, i32) {
    %c0_i32 = arith.constant 0 : i32
    %c0_i32_0 = arith.constant 0 : i32
    %c0_i32_1 = arith.constant 0 : i32
    return %c0_i32, %c0_i32_0 : i32, i32
  }
  func.func @transform_8(%arg0: i32) -> (i32, i32) {
    %c0_i32 = arith.constant 0 : i32
    %c0_i32_0 = arith.constant 0 : i32
    %c0_i32_1 = arith.constant 0 : i32
    return %c0_i32, %c0_i32_0 : i32, i32
  }
  func.func @transform_9(%arg0: i32) -> (i32, i32) {
    %c0_i32 = arith.constant 0 : i32
    %c0_i32_0 = arith.constant 0 : i32
    %c0_i32_1 = arith.constant 0 : i32
    return %c0_i32, %c0_i32_0 : i32, i32
  }
  func.func @transform_10(%arg0: i32) -> (i32, i32) {
    %c0_i32 = arith.constant 0 : i32
    %c0_i32_0 = arith.constant 0 : i32
    %c0_i32_1 = arith.constant 0 : i32
    return %c0_i32, %c0_i32_0 : i32, i32
  }
  func.func @transform_11(%arg0: i32) -> (i32, i32) {
    %c0_i32 = arith.constant 0 : i32
    %c0_i32_0 = arith.constant 0 : i32
    %c0_i32_1 = arith.constant 0 : i32
    return %c0_i32, %c0_i32_0 : i32, i32
  }
  func.func @transform_12(%arg0: i32) -> (i32, i32) {
    %c0_i32 = arith.constant 0 : i32
    %c0_i32_0 = arith.constant 0 : i32
    %c0_i32_1 = arith.constant 0 : i32
    return %c0_i32, %c0_i32_0 : i32, i32
  }
  func.func @transform_13(%arg0: i32) -> (i32, i32) {
    %c0_i32 = arith.constant 0 : i32
    %c0_i32_0 = arith.constant 0 : i32
    return %arg0, %c0_i32 : i32, i32
  }
}

</mosaic_0001>

<sc_bundles>
// kernel: kernel.5.cloned.1.call-start
scs
__scs_entry_jumppad:
0x0: {  	(pc) =	sbr.rel $0x88, $3  }
0x1: {  	(tag) =	ssettag $0x0;
	lr =	simm.s32 $0x1  }
0x2: {  	[smem:$0x3F96] =	sst lr;
	_ =	strace $0xD0000000  }
0x3: {  	_ = 	snop  }
0x4: {  	_ = 	snop  }
0x5: {  	_ = 	snop  }
0x6: {  	_ = 	snop  }
0x7: {  	_ = 	snop  }
__scs_overlays_trampoline_lowered:
0x8: {  	[smem:$0x3FA5] =	sst s0  }
0x9: {  	[smem:$0x3FA6] =	sst s1  }
0xa: {  	[smem:$0x3FA7] =	sst s2  }
0xb: {  	[smem:$0x3FA8] =	sst s3  }
0xc: {  	[smem:$0x3FA9] =	sst s4  }
0xd: {  	[smem:$0x3FAA] =	sst s5  }
0xe: {  	[smem:$0x3FAB] =	sst s6  }
0xf: {  	[smem:$0x3FAC] =	sst s7  }
0x10: {  	[smem:$0x3FAD] =	sst s8  }
0x11: {  	[smem:$0x3FAE] =	sst s9;
	s0 =	simm.s32 @!p0 $0x0  }
0x12: {  	s1 =	sld [smem:$0x3F94];
	s0 =	simm.s32 @p0 $0x1  }
0x13: {  	[smem:$0x3FAF] =	sst s0;
	s0 =	simm.s32 @!p1 $0x0  }
0x14: {  	s2 =	sld [smem:$0x3F93];
	s0 =	simm.s32 @p1 $0x1  }
0x15: {  	[smem:$0x3FB0] =	sst s0;
	s0 =	simm.s32 @!p2 $0x0  }
0x16: {  	s3 =	sld [smem:$0x3FDB];
	s0 =	simm.s32 @p2 $0x1  }
0x17: {  	s4 =	simm.s32 $0x1BF5;
	[smem:$0x3FB2] =	sst s0  }
0x18: {  	s0 =	sld [smem:$0x3F95];
	_ =	swait.ge [sflag:s4], $0x0  }
0x19: {  	s7 =	sld [smem:$0x3F96]  }
0x1a: {  	s8 =	sadd.s32 $0xFFFFE003, lr  }
0x1b: {  	s9 =	sadd.s32 $0xFFFFFEF7, lr;
	s5 =	simm.s32 $0xFFFFFFFF;
	p2 =	slt.u32 s8, $0xFFFFF086  }
0x1c: {  	p1 =	slt.u32 s9, $0xF7A;
	s5 =	simm.s32 @!p2 $0x0  }
0x1d: {  	s5 =	simm.s32 @p1 $0x1;
	p0 =	seq.s32 s7, s2  }
0x1e: {  	s7 =	smul.u32 @!p0 $0xF7A, s2;
	p2 =	seq.s32 @!p0 s5, $0x0  }
0x1f: {  	s9 =	smul.u32 $0xF7A, s1;
	s8 =	simm.s32 @!p0 $0x1BF5;
	p2 =	por !p2, p0  }
0x20: {  	[sflag:s8] =	ssyncset.s32 @!p0 $0xFFFFF086;
	s6 =	sadd.s32 @!p0 s3, s7;
	s7 =	simm.s32 @!p0 $0x108  }
0x21: {  	s3 =	sadd.s32 s3, s9;
	s6 =	sadd.s32 @!p0 $0x88, s6;
	s7 =	simm.s32 @p2 $0x1082  }
0x22: {  	[simem:s7], [sflag:s8] =	dma.local @!p0 [hbm:s6], $0xF7A  }
0x23: {  	s9 =	sor.u32 $0xD0000000, s2;
	s6 =	simm.s32 $0x108;
	_ =	swait.ge @!p0 [sflag:s8], $0x0  }
0x24: {  	s3 =	sadd.s32 $0x88, s3;
	s6 =	simm.s32 @!p1 $0x1082;
	[sflag:s4] =	ssyncset.s32 $0xFFFFF086  }
0x25: {  	[simem:s6], [sflag:s4] =	dma.local [hbm:s3], $0xF7A  }
0x26: {  	[smem:$0x3F96] =	sst s1;
	(tag) =	ssettag s2;
	_ =	strace s9  }
0x27: {  	s1 =	sld [smem:$0x3FA6]  }
0x28: {  	s2 =	sld [smem:$0x3FA7]  }
0x29: {  	s4 =	sld [smem:$0x3FA9]  }
0x2a: {  	p0 =	seq.s32 s5, $0x0;
	s5 =	sld [smem:$0x3FAA]  }
0x2b: {  	s6 =	sld [smem:$0x3FAB]  }
0x2c: {  	s7 =	sld [smem:$0x3FAC]  }
0x2d: {  	s3 =	simm.s32 $0x108;
	s8 =	sld [smem:$0x3FAD]  }
0x2e: {  	s3 =	simm.s32 @!p0 $0x1082;
	s9 =	sld [smem:$0x3FAE]  }
0x2f: {  	lr =	sadd.s32 s0, s3;
	s0 =	sld [smem:$0x3FA5]  }
0x30: {  	s3 =	sld [smem:$0x3FA8]  }
0x31: {  	[smem:$0x3FB1] =	sst s10  }
0x32: {  	s10 =	sld [smem:$0x3FAF];
	_ =	sdelay $0x3  }
0x33: {  	p0 =	seq.s32 s10, $0x1;
	s10 =	sld [smem:$0x3FB1];
	_ =	sdelay $0x3  }
0x34: {  	[smem:$0x3FB1] =	sst s10  }
0x35: {  	s10 =	sld [smem:$0x3FB0];
	_ =	sdelay $0x3  }
0x36: {  	p1 =	seq.s32 s10, $0x1;
	s10 =	sld [smem:$0x3FB1];
	_ =	sdelay $0x3  }
0x37: {  	[smem:$0x3FB1] =	sst s10  }
0x38: {  	s10 =	sld [smem:$0x3FB2]  }
0x39: {  	_ = 	snop;
	(pc) =	sbr.ind lr, $3  }
0x3a: {  	_ = 	snop  }
0x3b: {  	_ = 	snop  }
0x3c: {  	p2 =	seq.s32 s10, $0x1;
	s10 =	sld [smem:$0x3FB1]  }
0x3d: {  	_ =	shalt  }
0x3e: {  	_ =	shalt  }
0x3f: {  	_ =	shalt  }
0x40: {  	_ =	shalt  }
0x41: {  	_ =	shalt  }
0x42: {  	_ =	shalt  }
0x43: {  	_ =	shalt  }
0x44: {  	_ =	shalt  }
0x45: {  	_ =	shalt  }
0x46: {  	_ =	shalt  }
0x47: {  	_ =	shalt  }
0x48: {  	_ =	shalt  }
0x49: {  	_ =	shalt  }
0x4a: {  	_ =	shalt  }
0x4b: {  	_ =	shalt  }
0x4c: {  	_ =	shalt  }
0x4d: {  	_ =	shalt  }
0x4e: {  	_ =	shalt  }
0x4f: {  	_ =	shalt  }
0x50: {  	_ =	shalt  }
0x51: {  	_ =	shalt  }
0x52: {  	_ =	shalt  }
0x53: {  	_ =	shalt  }
0x54: {  	_ =	shalt  }
0x55: {  	_ =	shalt  }
0x56: {  	_ =	shalt  }
0x57: {  	_ =	shalt  }
0x58: {  	_ =	shalt  }
0x59: {  	_ =	shalt  }
0x5a: {  	_ =	shalt  }
0x5b: {  	_ =	shalt  }
0x5c: {  	_ =	shalt  }
0x5d: {  	_ =	shalt  }
0x5e: {  	_ =	shalt  }
0x5f: {  	_ =	shalt  }
0x60: {  	_ =	shalt  }
0x61: {  	_ =	shalt  }
0x62: {  	_ =	shalt  }
0x63: {  	_ =	shalt  }
0x64: {  	_ =	shalt  }
0x65: {  	_ =	shalt  }
0x66: {  	_ =	shalt  }
0x67: {  	_ =	shalt  }
0x68: {  	_ =	shalt  }
0x69: {  	_ =	shalt  }
0x6a: {  	_ =	shalt  }
0x6b: {  	_ =	shalt  }
0x6c: {  	_ =	shalt  }
0x6d: {  	_ =	shalt  }
0x6e: {  	_ =	shalt  }
0x6f: {  	_ =	shalt  }
0x70: {  	_ =	shalt  }
0x71: {  	_ =	shalt  }
0x72: {  	_ =	shalt  }
0x73: {  	_ =	shalt  }
0x74: {  	_ =	shalt  }
0x75: {  	_ =	shalt  }
0x76: {  	_ =	shalt  }
0x77: {  	_ =	shalt  }
0x78: {  	_ =	shalt  }
0x79: {  	_ =	shalt  }
0x7a: {  	_ =	shalt  }
0x7b: {  	_ =	shalt  }
0x7c: {  	_ =	shalt  }
0x7d: {  	_ =	shalt  }
0x7e: {  	_ =	shalt  }
0x7f: {  	_ =	shalt  }
0x80: {  	_ =	shalt  }
0x81: {  	_ =	shalt  }
0x82: {  	_ =	shalt  }
0x83: {  	_ =	shalt  }
0x84: {  	_ =	shalt  }
0x85: {  	_ =	shalt  }
0x86: {  	_ =	shalt  }
0x87: {  	_ =	shalt  }
.Lfunc_end0:
.L_simem_size_0:
called_computation_lowered:
.L_overlay_start_0:
0x88: {  	s2 =	sld [smem:$0x3FD9]  }
0x89: {  	s3 =	sld [smem:$0x3FFE];
	_ =	sdelay $0x1  }
0x8a: {  	s1 =	srdreg.scid  }
0x8b: {  	s0 =	sand.u32 $0x1, s1  }
0x8c: {  	s17 =	sshll.u32 s0, $0xA;
	s2 =	sadd.s32 s3, s2  }
0x8d: {  	s2 =	sadd.s32 s2, s17  }
0x8e: {  	[smem:$0x3FBD] =	sst s2  }
0x8f: {  	_ = 	snop  }
0x90: {  	s2 =	sld [smem:$0x3FD0];
	(tm) =	ssettm $0x1  }
0x91: {  	s18 =	sld [smem:$0x3FFB];
	_ =	sdelay $0x3  }
0x92: {  	_ =	strace s18  }
0x93: {  	s3 =	sld [smem:$0x3FFC];
	_ =	sdelay $0x3  }
0x94: {  	_ =	strace s3  }
0x95: {  	s3 =	sld [smem:$0x3FFD];
	_ =	sdelay $0x3  }
0x96: {  	_ =	strace s3  }
0x97: {  	_ =	strace $0x8FFFFFFF  }
0x98: {  	s19 =	sld [smem:$0x3FDB];
	_ =	sdelay $0x1  }
0x99: {  	s4 =	simm.s32 $_scs_section_size  }
0x9a: {  	s5 =	simm.s32 $_size__tile_overlayer_lowered;
	s6 =	simm.s32 $_tile_overlayer_lowered  }
0x9b: {  	s22 =	simm.s32 $0x1BFF;
	s21 =	sshll.u32 s6, $0x1;
	s3 =	sadd.s32 s4, s19  }
0x9c: {  	s7 =	simm.s32 $0x0;
	s20 =	sshll.u32 s5, $0x1;
	s5 =	sadd.s32 s21, s3  }
0x9d: {  	[timem:s7], [sflag:s22] =	dma.local [hbm:s5], s20  }
0x9e: {  	_ =	swait.ge [sflag:s22], s20  }
0x9f: {  	s4 =	ssub.s32 $0x0, s20;
	[sflag:s22] =	ssyncset.done $0x0  }
0xa0: {  	[sflag:s22] =	ssyncadd.s32 s4;
	_ =	sdelay $0x1  }
0xa1: {  	s23 =	simm.s32 $0x1B8B  }
0xa2: {  	_ =	swait.ge [sflag:s23], $0x1  }
0xa3: {  	[sflag:s23] =	ssyncset.done $0x0  }
0xa4: {  	s25 =	simm.s32 $0x1B8E;
	s24 =	sld [smem:$0x3FFE];
	[sflag:s23] =	ssyncadd.s32 $0xFFFFFFFF  }
0xa5: {  	s26 =	simm.s32 $execute0_lowered;
	[smem:$0x3FD2] =	sst s25  }
0xa6: {  	s5 =	sshll.u32 s26, $0x1;
	_ =	strace $0x80000046;
	[dreg:$0x1] =	wrdreg $0xFFFFFFFF  }
0xa7: {  	s28 =	simm.s32 $_size_execute0_lowered;
	s3 =	sadd.s32 s3, s5;
	[dreg:$0x0] =	wrdreg $0x0  }
0xa8: {  	s5 =	sshll.u32 s28, $0x1;
	[dreg:$0x2] =	wrdreg s3  }
0xa9: {  	[dreg:$0x3] =	wrdreg s5  }
0xaa: {  	[dreg:$0x4] =	wrdreg $0xC0  }
0xab: {  	_ =	task [dreg:s7], $0x5FFFF  }
0xac: {  	[dreg:$0x1] =	wrdreg $0xFFFFFFFF  }
0xad: {  	[dreg:$0x0] =	wrdreg $0x60  }
0xae: {  	[dreg:$0x2] =	wrdreg s24  }
0xaf: {  	[dreg:$0x3] =	wrdreg s2  }
0xb0: {  	[dreg:$0x4] =	wrdreg $0xA4000  }
0xb1: {  	[dreg:$0x5] =	wrdreg $0x1E4000  }
0xb2: {  	[dreg:$0x6] =	wrdreg $0x9  }
0xb3: {  	_ =	task.clear_ibuf [dreg:s7], $0x7FFFF;
	_ =	strace $0x90000046  }
0xb4: {  	s29 =	simm.s32 $0x9;
	_ =	strace $0x80000048  }
0xb5: {  	_ =	swait.ge [sflag:s29], $0x1  }
0xb6: {  	[sflag:s29] =	ssyncadd.s32 $0xFFFFFFFF  }
0xb7: {  	_ =	strace $0x90000048  }
0xb8: {  	_ =	sfence  }
0xb9: {  	s30 =	sld [smem:$0x0];
	_ =	sdelay $0x2  }
0xba: {  	s31 =	sshll.u32 s1, $0xD;
	s1 =	sshrl.u32 s1, $0x2  }
0xbb: {  	s3 =	sand.u32 $0x4000, s31;
	s1 =	sadd.s32 s1, s30  }
0xbc: {  	s0 =	sor.u32 s3, s0;
	s1 =	sshll.u32 s1, $0x11  }
0xbd: {  	s0 =	sor.u32 s1, s0  }
0xbe: {  	s0 =	sadd.s32 $0x8F2B, s0  }
0xbf: {  	[sflag:s0] =	ssyncadd.remote.s32 $0x1  }
0xc0: {  	_ =	sfence.sel $0xFFFF  }
0xc1: {  	[dreg:$0x0] =	wrdreg $0xFFFFFFFF;
	(pc) =	sbr.abs _section_cstart, $3  }
0xc2: {  	[dreg:$0x1] =	wrdreg $0xFFFFFFFF  }
0xc3: {  	_ =	task.clear_ibuf [dreg:s7], $0x2FFFF;
	_ =	strace $0x9FFFFFFF  }
0xc4: {  	(tm) =	ssettm $0x7FFFFFFF  }
0xc5: {  	_ =	shalt  }
tec
execute0_lowered:
.L_overlay_start_1:
0x0: {  	(tag) =	ssettag $0x1  }
0x1: {  	s0 =	rddreg [dreg:$0x0]  }
0x2: {  	s1 =	rddreg [dreg:$0x1]  }
0x3: {  	s2 =	srdreg.scid;
	s14 =	stileid.u32  }
0x4: {  	s3 =	rddreg [dreg:$0x2];
	s9 =	smul.u32 $0x50000, s14  }
0x5: {  	s4 =	rddreg [dreg:$0x3];
	s25 =	smul.u32 $0xA00, s14  }
0x6: {  	s28 =	simm.s32 $0x8;
	s29 =	simm.s32 $0x2780;
	s20 =	smul.u32 $0x4E20, s14  }
0x7: {  	s2 =	sand.u32 $0x1, s2;
	s5 =	sshll.u32 s14, $0x1;
	s22 =	smul.u32 $0x2800, s14  }
0x8: {  	s30 =	simm.s32 $0x2800;
	s6 =	sor.u32 s2, s5;
	s7 =	smul.u32 $0x28000, s2  }
0x9: {  	s23 =	sshll.u32 s2, $0x4;
	s12 =	ssub.s32 $0x2, s2;
	s2 =	smul.u32 $0x2710, s2  }
0xa: {  	s31 =	simm.s32 $0x7;
	s5 =	simm.s32 $0x0;
	s6 =	smul.u32 $0x2710, s6  }
0xb: {  	[smem:$0x7FF] =	sst s5;
	s9 =	sshrl.u32 s9, $0x2;
	s13 =	sshrl.u32 s12, $0x1  }
0xc: {  	_ =	strace $0x80000047;
	s11 =	sadd.s32 s7, s0;
	s7 =	sadd.s32 s9, s3  }
0xd: {  	s9 =	ssub.s32 s12, s13;
	s12 =	sshrl.u32 s25, $0x2;
	s2 =	sadd.s32 s2, s20  }
0xe: {  	s13 =	simm.s32 $0x2;
	s8 =	sshrl.u32 s6, $0x3;
	s24 =	sadd.s32 $0x2800, s7  }
0xf: {  	s6 =	sadd.s32 $0xBE00, s0;
	s26 =	sadd.s32 $0x5000, s7;
	[dreg:$0x5] =	wrdreg s24  }
0x10: {  	s15 =	sadd.s32 $0x7800, s7;
	s16 =	sadd.s32 $0xA000, s7;
	[dreg:$0x6] =	wrdreg s26  }
0x11: {  	s17 =	sadd.s32 $0xC800, s7;
	s18 =	sadd.s32 $0xF000, s7;
	[dreg:$0x7] =	wrdreg s15  }
0x12: {  	s19 =	sadd.s32 $0x11800, s7;
	s21 =	sadd.s32 $0x16600, s11;
	[dreg:$0x8] =	wrdreg s16  }
0x13: {  	s9 =	smax.u32 s9, $0x1;
	s11 =	simm.s32 $0xA100;
	[dreg:$0x9] =	wrdreg s17  }
0x14: {  	s10 =	sadd.s32 s8, s0;
	s0 =	sadd.s32 s23, s0;
	[dreg:$0xa] =	wrdreg s18  }
0x15: {  	[dreg:$0xb] =	wrdreg s19;
	s19 =	sadd.s32 s12, s4;
	s8 =	sadd.s32 s6, s8  }
0x16: {  	s23 =	smul.u32 $0xA0, s14;
	s12 =	sadd.s32 $0x140, s2;
	s24 =	sadd.s32 $0xA0, s2  }
0x17: {  	[dreg:$0x10] =	wrdreg s9;
	s2 =	sadd.s32 $0xF0, s2;
	s14 =	simm.s32 $0x6  }
0x18: {  	s16 =	simm.s32 $0x3;
	s18 =	simm.s32 $0x0;
	[dreg:$0xd] =	wrdreg s8  }
0x19: {  	s10 =	sadd.s32 $0x2000, s10;
	s8 =	sadd.s32 $0xA, s8;
	[dreg:$0x12] =	wrdreg s2  }
0x1a: {  	s0 =	sadd.s32 $0x15C00, s0;
	s25 =	sshrl.u32 s12, $0x3;
	[dreg:$0xc] =	wrdreg s10  }
0x1b: {  	s2 =	simm.s32 $0x50;
	[dreg:$0xe] =	wrdreg s8;
	s8 =	sadd.s32 s22, s21  }
0x1c: {  	s12 =	simm.s32 $0x5;
	s9 =	sadd.s32 s25, s6;
	[dreg:$0xf] =	wrdreg s8  }
0x1d: {  	s0 =	sadd.s32 s23, s0;
	s25 =	simm.s32 $0x2900;
	[dreg:$0x11] =	wrdreg s9  }
0x1e: {  	s10 =	simm.s32 $0x1;
	s8 =	sshrl.u32 s24, $0x3;
	[dreg:$0x14] =	wrdreg s0  }
0x1f: {  	s0 =	simm.s32 $0x2880;
	s9 =	simm.s32 $0x4;
	s26 =	sadd.s32 s8, s6  }
0x20: {  	v0 =	vimm.f32 $0.0e+00;
	v1 =	vimm.f32 $1.000000000e+00;
	s8 =	simm.s32 $0x7900;
	[dreg:$0x13] =	wrdreg s26;
	s26 =	simm.s32 $0x5100  }
.LBB2_1:
0x21: {  	s15 =	simm.s32 $0x0;
	s17 =	simm.s32 $0x200  }
.LBB2_2:
0x22: {  	p0 =	sne.s32 s17, $0x9E00;
	[tilespmem:s15+$0x2970] =	vst v0  }
0x23: {  	[tilespmem:s15+$0x2900] =	vst v0  }
0x24: {  	[tilespmem:s15+$0x2910] =	vst v0  }
.Ltmp0:
0x25: {  	[tilespmem:s15+$0x2920] =	vst v0;
	(pc) =	sbr.rel @p0 .LBB2_2-.Ltmp0, $4  }
0x26: {  	[tilespmem:s15+$0x2930] =	vst v0  }
0x27: {  	[tilespmem:s15+$0x2940] =	vst v0  }
0x28: {  	[tilespmem:s15+$0x2950] =	vst v0  }
0x29: {  	[tilespmem:s15+$0x2960] =	vst v0;
	s15 =	sshra.s32 s17, $0x2;
	s17 =	sadd.s32 $0x200, s17  }
0x2a: {  	[tilespmem:s15+$0x2970] =	vst v0  }
0x2b: {  	[tilespmem:s15+$0x2900] =	vst v0  }
0x2c: {  	[tilespmem:s15+$0x2910] =	vst v0  }
0x2d: {  	[tilespmem:s15+$0x2920] =	vst v0  }
0x2e: {  	[tilespmem:s15+$0x2930] =	vst v0  }
0x2f: {  	[tilespmem:s15+$0x2940] =	vst v0  }
0x30: {  	[tilespmem:s15+$0x2950] =	vst v0  }
0x31: {  	[tilespmem:s15+$0x2960] =	vst v0  }
0x32: {  	[tilespmem:$0xA180] =	vst v0  }
0x33: {  	[tilespmem:$0xA190] =	vst v0  }
0x34: {  	[tilespmem:$0xA1A0] =	vst v0  }
0x35: {  	[tilespmem:$0xA1B0] =	vst v0  }
0x36: {  	[tilespmem:$0xA1C0] =	vst v0  }
0x37: {  	[tilespmem:$0xA1D0] =	vst v0  }
0x38: {  	[tilespmem:$0xA1E0] =	vst v0  }
0x39: {  	[tilespmem:$0xA1F0] =	vst v0  }
0x3a: {  	[tilespmem:$0xA200] =	vst v0  }
0x3b: {  	[tilespmem:$0xA210] =	vst v0  }
0x3c: {  	[tilespmem:$0xA220] =	vst v0  }
0x3d: {  	[tilespmem:$0xA230] =	vst v0  }
0x3e: {  	[tilespmem:$0xA240] =	vst v0  }
0x3f: {  	[tilespmem:$0xA250] =	vst v0  }
0x40: {  	[tilespmem:$0xA260] =	vst v0  }
0x41: {  	[tilespmem:$0xA270] =	vst v0  }
0x42: {  	[tilespmem:$0xA280] =	vst v0  }
0x43: {  	[tilespmem:$0xA290] =	vst v0  }
0x44: {  	[tilespmem:$0xA2A0] =	vst v0  }
0x45: {  	[tilespmem:$0xA2B0] =	vst v0  }
0x46: {  	[tilespmem:$0xA2C0] =	vst v0  }
0x47: {  	[tilespmem:$0xA2D0] =	vst v0  }
0x48: {  	[tilespmem:$0xA2E0] =	vst v0  }
0x49: {  	[tilespmem:$0xA2F0] =	vst v0  }
0x4a: {  	[tilespmem:$0xA300] =	vst v0  }
0x4b: {  	[tilespmem:$0xA310] =	vst v0  }
0x4c: {  	[tilespmem:$0xA320] =	vst v0  }
0x4d: {  	[tilespmem:$0xA330] =	vst v0  }
0x4e: {  	[tilespmem:$0xA340] =	vst v0  }
0x4f: {  	[tilespmem:$0xA350] =	vst v0  }
0x50: {  	[tilespmem:$0xA360] =	vst v0  }
0x51: {  	[tilespmem:$0xA370] =	vst v0  }
0x52: {  	[tilespmem:$0xA380] =	vst v0  }
0x53: {  	[tilespmem:$0xA390] =	vst v0  }
0x54: {  	[tilespmem:$0xA3A0] =	vst v0  }
0x55: {  	[tilespmem:$0xA3B0] =	vst v0  }
0x56: {  	[tilespmem:$0xA3C0] =	vst v0  }
0x57: {  	[tilespmem:$0xA3D0] =	vst v0  }
0x58: {  	[tilespmem:$0xA3E0] =	vst v0  }
0x59: {  	[tilespmem:$0xA3F0] =	vst v0  }
0x5a: {  	[tilespmem:$0xA100] =	vst v1  }
0x5b: {  	[tilespmem:$0xA110] =	vst v1  }
0x5c: {  	[tilespmem:$0xA120] =	vst v1  }
0x5d: {  	[tilespmem:$0xA130] =	vst v1  }
0x5e: {  	[tilespmem:$0xA140] =	vst v1  }
0x5f: {  	[spmem:s7] =	stream.linear.scatter [tilespmem:s25], [sflag:$0x7], $0x2800, $0x38;
	[tilespmem:$0x1E680] =	vst v63  }
0x60: {  	s24 =	rddreg [dreg:$0x5]  }
0x61: {  	[spmem:s24] =	stream.linear.scatter [tilespmem:s25], [sflag:$0x7], $0x2800, $0x38;
	[tilespmem:$0x1E680] =	vst v63  }
0x62: {  	s17 =	rddreg [dreg:$0x6]  }
0x63: {  	[spmem:s17] =	stream.linear.scatter [tilespmem:s25], [sflag:$0x7], $0x2800, $0x38;
	[tilespmem:$0x1E680] =	vst v63  }
0x64: {  	s20 =	rddreg [dreg:$0x7]  }
0x65: {  	[spmem:s20] =	stream.linear.scatter [tilespmem:s25], [sflag:$0x7], $0x2800, $0x38;
	[tilespmem:$0x1E680] =	vst v63  }
0x66: {  	s21 =	rddreg [dreg:$0x8]  }
0x67: {  	[spmem:s21] =	stream.linear.scatter [tilespmem:s25], [sflag:$0x7], $0x2800, $0x38;
	[tilespmem:$0x1E680] =	vst v63  }
0x68: {  	s22 =	rddreg [dreg:$0x9]  }
0x69: {  	[spmem:s22] =	stream.linear.scatter [tilespmem:s25], [sflag:$0x7], $0x2800, $0x38;
	[tilespmem:$0x1E680] =	vst v63  }
0x6a: {  	s23 =	rddreg [dreg:$0xa]  }
0x6b: {  	[spmem:s23] =	stream.linear.scatter [tilespmem:s25], [sflag:$0x7], $0x2800, $0x38;
	[tilespmem:$0x1E680] =	vst v63  }
0x6c: {  	s24 =	rddreg [dreg:$0xb]  }
0x6d: {  	[spmem:s24] =	stream.linear.scatter [tilespmem:s25], [sflag:$0x7], $0x2800, $0x38;
	[tilespmem:$0x1E680] =	vst v63  }
0x6e: {  	s17 =	simm.s32 $0xA180  }
0x6f: {  	[spmem:s19] =	stream.linear.scatter [tilespmem:s17], [sflag:$0x7], $0x280, $0x38;
	[tilespmem:$0x1E680] =	vst v63  }
0x70: {  	s20 =	simm.s32 $0x0;
	s17 =	rddreg [dreg:$0xc]  }
0x71: {  	[tilespmem:s20], [sflag:$0x8] =	stream.linear.gather [hbm4b:s17+s20], $0x2710, $0x38;
	[tilespmem:$0x1E680] =	vst v63  }
0x72: {  	_ =	swait.ge [sflag:s28], $0x2710  }
0x73: {  	[sflag:s28] =	ssyncset.done $0x0  }
0x74: {  	s21 =	rddreg [dreg:$0xd];
	[sflag:s28] =	ssyncadd.s32 $0xFFFFD8F0  }
0x75: {  	[tilespmem:s29], [sflag:$0x4] =	stream.linear.gather [hbm4b:s21+s20], $0x50, $0x38;
	[tilespmem:$0x1E680] =	vst v63  }
0x76: {  	s22 =	rddreg [dreg:$0xe]  }
0x77: {  	[tilespmem:s30], [sflag:$0x5] =	stream.linear.gather [hbm4b:s22+s20], $0x50, $0x38;
	[tilespmem:$0x1E680] =	vst v63  }
0x78: {  	_ =	swait.ge [sflag:s31], $0x2800  }
0x79: {  	[sflag:s31] =	ssyncset.done $0x0  }
0x7a: {  	[sflag:s31] =	ssyncadd.s32 $0xFFFFD800  }
0x7b: {  	_ =	swait.ge [sflag:s31], $0x2800  }
0x7c: {  	[sflag:s31] =	ssyncset.done $0x0  }
0x7d: {  	[sflag:s31] =	ssyncadd.s32 $0xFFFFD800  }
0x7e: {  	_ =	swait.ge [sflag:s31], $0x2800  }
0x7f: {  	[sflag:s31] =	ssyncset.done $0x0  }
0x80: {  	[sflag:s31] =	ssyncadd.s32 $0xFFFFD800  }
0x81: {  	_ =	swait.ge [sflag:s31], $0x2800  }
0x82: {  	[sflag:s31] =	ssyncset.done $0x0  }
0x83: {  	[sflag:s31] =	ssyncadd.s32 $0xFFFFD800  }
0x84: {  	_ =	swait.ge [sflag:s31], $0x2800  }
0x85: {  	[sflag:s31] =	ssyncset.done $0x0  }
0x86: {  	[sflag:s31] =	ssyncadd.s32 $0xFFFFD800  }
0x87: {  	_ =	swait.ge [sflag:s31], $0x2800  }
0x88: {  	[sflag:s31] =	ssyncset.done $0x0  }
0x89: {  	[sflag:s31] =	ssyncadd.s32 $0xFFFFD800  }
0x8a: {  	_ =	swait.ge [sflag:s31], $0x2800  }
0x8b: {  	[sflag:s31] =	ssyncset.done $0x0  }
0x8c: {  	[sflag:s31] =	ssyncadd.s32 $0xFFFFD800  }
0x8d: {  	_ =	swait.ge [sflag:s31], $0x2800  }
0x8e: {  	[sflag:s31] =	ssyncset.done $0x0  }
0x8f: {  	[sflag:s31] =	ssyncadd.s32 $0xFFFFD800  }
0x90: {  	_ =	swait.ge [sflag:s31], $0x280  }
0x91: {  	[sflag:s31] =	ssyncset.done $0x0  }
0x92: {  	[sflag:s31] =	ssyncadd.s32 $0xFFFFFD80  }
0x93: {  	[tilespmem:s25], [sflag:$0x1] =	stream.indirect.gather [hbm4b:s1+s2], $0x80, s20, s2, $0xb8;
	[tilespmem:$0x1E680] =	vst v63  }
0x94: {  	p0 =	por $0x1, $0x1  }
0x95: {  	[tilespmem:s26], [sflag:$0x2] =	stream.indirect.gather [hbm4b:s1+s2], $0x80, s2, s2, $0xb8;
	[tilespmem:$0x1E680] =	vst v63  }
0x96: {  	s15 =	simm.s32 @!p0 $0x7;
	[bflag:$0x0] =	sbarrier.arrive $0xFFFF  }
0x97: {  	_ =	swait.ge @!p0 [sflag:s15], $0x50  }
0x98: {  	[sflag:s15] =	ssyncset.done @!p0 $0x0  }
0x99: {  	s21 =	rddreg [dreg:$0x13];
	[sflag:s15] =	ssyncadd.s32 @!p0 $0xFFFFFFB0  }
0x9a: {  	[tilespmem:s0], [sflag:$0x6] =	stream.linear.gather [hbm4b:s21+s5], $0x50, $0x38;
	[tilespmem:$0x1E680] =	vst v63  }
0x9b: {  	s24 =	simm.s32 $0xA0  }
0x9c: {  	[tilespmem:s8], [sflag:$0x3] =	stream.indirect.gather [hbm4b:s1+s2], $0x80, s24, s2, $0xb8;
	[tilespmem:$0x1E680] =	vst v63  }
0x9d: {  	_ =	swait.ge [sflag:s9], $0x50  }
0x9e: {  	[sflag:s9] =	ssyncset.done $0x0  }
0x9f: {  	[sflag:s9] =	ssyncadd.s32 $0xFFFFFFB0  }
0xa0: {  	_ =	swait.ge [sflag:s10], $0x2800  }
0xa1: {  	[sflag:s10] =	ssyncset.done $0x0  }
0xa2: {  	[sflag:s10] =	ssyncadd.s32 $0xFFFFD800  }
0xa3: {  	[spmem:s4] =	stream.indirect.scatter.add.f32 [tilespmem:s11], [sflag:$0x7], $0x1, s29, s2, $0xb8;
	[tilespmem:$0x1E680] =	vst v63  }
0xa4: {  	_ = 	snop  }
0xa5: {  	[spmem:s3] =	stream.indirect.scatter.add.f32 [tilespmem:s25], [sflag:$0x8], $0x80, s29, s2, $0xb8;
	[tilespmem:$0x1E680] =	vst v63  }
0xa6: {  	_ =	swait.ge [sflag:s28], $0x2800  }
0xa7: {  	[sflag:s28] =	ssyncset.done $0x0  }
0xa8: {  	[sflag:s28] =	ssyncadd.s32 $0xFFFFD800  }
0xa9: {  	_ =	swait.ge [sflag:s31], $0x50  }
0xaa: {  	s20 =	rddreg [dreg:$0x12]  }
0xab: {  	[sflag:s31] =	ssyncset.done $0x0;
	s17 =	sshrl.u32 s20, $0x3  }
0xac: {  	[sflag:s31] =	ssyncadd.s32 $0xFFFFFFB0;
	s15 =	sadd.s32 s6, s17  }
0xad: {  	[tilespmem:s29], [sflag:$0x4] =	stream.linear.gather [hbm4b:s15+s5], $0x50, $0x38;
	[tilespmem:$0x1E680] =	vst v63  }
0xae: {  	s23 =	smov.u32 s19;
	s19 =	simm.s32 $0xF0  }
0xaf: {  	[tilespmem:s25], [sflag:$0x1] =	stream.indirect.gather [hbm4b:s1+s2], $0x80, s19, s2, $0xb8;
	[tilespmem:$0x1E680] =	vst v63  }
0xb0: {  	_ =	swait.ge [sflag:s12], $0x50  }
0xb1: {  	[sflag:s12] =	ssyncset.done $0x0  }
0xb2: {  	[sflag:s12] =	ssyncadd.s32 $0xFFFFFFB0  }
0xb3: {  	_ =	swait.ge [sflag:s13], $0x2800  }
0xb4: {  	[sflag:s13] =	ssyncset.done $0x0  }
0xb5: {  	[sflag:s13] =	ssyncadd.s32 $0xFFFFD800  }
0xb6: {  	[spmem:s4] =	stream.indirect.scatter.add.f32 [tilespmem:s11], [sflag:$0x7], $0x1, s30, s2, $0xb8;
	[tilespmem:$0x1E680] =	vst v63  }
0xb7: {  	_ = 	snop  }
0xb8: {  	[spmem:s3] =	stream.indirect.scatter.add.f32 [tilespmem:s26], [sflag:$0x8], $0x80, s30, s2, $0xb8;
	[tilespmem:$0x1E680] =	vst v63  }
0xb9: {  	_ =	swait.ge [sflag:s28], $0x2800  }
0xba: {  	[sflag:s28] =	ssyncset.done $0x0  }
0xbb: {  	[sflag:s28] =	ssyncadd.s32 $0xFFFFD800  }
0xbc: {  	_ =	swait.ge [sflag:s31], $0x50  }
0xbd: {  	[sflag:s31] =	ssyncset.done $0x0  }
0xbe: {  	s22 =	rddreg [dreg:$0x11];
	[sflag:s31] =	ssyncadd.s32 $0xFFFFFFB0  }
0xbf: {  	[tilespmem:s30], [sflag:$0x5] =	stream.linear.gather [hbm4b:s22+s5], $0x50, $0x38;
	[tilespmem:$0x1E680] =	vst v63  }
0xc0: {  	s24 =	simm.s32 $0x140  }
0xc1: {  	[tilespmem:s26], [sflag:$0x2] =	stream.indirect.gather [hbm4b:s1+s2], $0x80, s24, s2, $0xb8;
	[tilespmem:$0x1E680] =	vst v63  }
0xc2: {  	_ =	swait.ge [sflag:s14], $0x50  }
0xc3: {  	[sflag:s14] =	ssyncset.done $0x0  }
0xc4: {  	[sflag:s14] =	ssyncadd.s32 $0xFFFFFFB0  }
0xc5: {  	_ =	swait.ge [sflag:s16], $0x2800  }
0xc6: {  	[sflag:s16] =	ssyncset.done $0x0  }
0xc7: {  	[sflag:s16] =	ssyncadd.s32 $0xFFFFD800  }
0xc8: {  	[spmem:s4] =	stream.indirect.scatter.add.f32 [tilespmem:s11], [sflag:$0x7], $0x1, s0, s2, $0xb8;
	[tilespmem:$0x1E680] =	vst v63  }
0xc9: {  	s20 =	sadd.s32 $0xF0, s20  }
0xca: {  	[spmem:s3] =	stream.indirect.scatter.add.f32 [tilespmem:s8], [sflag:$0x8], $0x80, s0, s2, $0xb8;
	[tilespmem:$0x1E680] =	vst v63  }
0xcb: {  	s17 =	simm.s32 $0x3C0;
	s15 =	simm.s32 $0x780;
	_ =	swait.ge [sflag:s28], $0x2800  }
0xcc: {  	s19 =	sadd.s32 $0x1E, s22;
	s24 =	sadd.s32 $0x1E, s21;
	[sflag:s28] =	ssyncset.done $0x0  }
.LBB2_4:
0xcd: {  	p1 =	seq.s32 s17, $0x0  }
0xce: {  	[sflag:s28] =	ssyncadd.s32 $0xFFFFD800;
	s22 =	smov.u32 s15;
	s15 =	sadd.s32 $0x3C0, s15  }
0xcf: {  	p0 =	sne.s32 s15, $0x99C0;
	s21 =	simm.s32 @!p1 $0x7  }
0xd0: {  	_ =	swait.ge @!p1 [sflag:s21], $0x50  }
0xd1: {  	[sflag:s21] =	ssyncset.done @!p1 $0x0  }
0xd2: {  	[sflag:s21] =	ssyncadd.s32 @!p1 $0xFFFFFFB0;
	s21 =	sshra.s32 s17, $0x2;
	s17 =	smov.u32 s22  }
0xd3: {  	[tilespmem:s0], [sflag:$0x6] =	stream.linear.gather [hbm4b:s24+s5], $0x50, $0x38;
	[tilespmem:$0x1E680] =	vst v63  }
0xd4: {  	s22 =	sadd.s32 $0xA0, s21  }
0xd5: {  	[tilespmem:s8], [sflag:$0x3] =	stream.indirect.gather [hbm4b:s1+s2], $0x80, s22, s2, $0xb8;
	[tilespmem:$0x1E680] =	vst v63  }
0xd6: {  	_ =	swait.ge [sflag:s9], $0x50  }
0xd7: {  	[sflag:s9] =	ssyncset.done $0x0  }
0xd8: {  	[sflag:s9] =	ssyncadd.s32 $0xFFFFFFB0  }
0xd9: {  	_ =	swait.ge [sflag:s10], $0x2800  }
0xda: {  	[sflag:s10] =	ssyncset.done $0x0  }
0xdb: {  	[sflag:s10] =	ssyncadd.s32 $0xFFFFD800  }
0xdc: {  	[spmem:s4] =	stream.indirect.scatter.add.f32 [tilespmem:s11], [sflag:$0x7], $0x1, s29, s2, $0xb8;
	[tilespmem:$0x1E680] =	vst v63  }
0xdd: {  	_ = 	snop  }
0xde: {  	[spmem:s3] =	stream.indirect.scatter.add.f32 [tilespmem:s25], [sflag:$0x8], $0x80, s29, s2, $0xb8;
	[tilespmem:$0x1E680] =	vst v63  }
0xdf: {  	_ =	swait.ge [sflag:s28], $0x2800  }
0xe0: {  	[sflag:s28] =	ssyncset.done $0x0  }
0xe1: {  	[sflag:s28] =	ssyncadd.s32 $0xFFFFD800  }
0xe2: {  	_ =	swait.ge [sflag:s31], $0x50  }
0xe3: {  	s22 =	sshrl.u32 s20, $0x3;
	[sflag:s31] =	ssyncset.done $0x0  }
0xe4: {  	s22 =	sadd.s32 s6, s22;
	[sflag:s31] =	ssyncadd.s32 $0xFFFFFFB0  }
0xe5: {  	[tilespmem:s29], [sflag:$0x4] =	stream.linear.gather [hbm4b:s22+s5], $0x50, $0x38;
	[tilespmem:$0x1E680] =	vst v63  }
0xe6: {  	s22 =	sadd.s32 $0xF0, s21  }
0xe7: {  	[tilespmem:s25], [sflag:$0x1] =	stream.indirect.gather [hbm4b:s1+s2], $0x80, s22, s2, $0xb8;
	[tilespmem:$0x1E680] =	vst v63  }
0xe8: {  	_ =	swait.ge [sflag:s12], $0x50  }
0xe9: {  	[sflag:s12] =	ssyncset.done $0x0  }
0xea: {  	[sflag:s12] =	ssyncadd.s32 $0xFFFFFFB0  }
0xeb: {  	_ =	swait.ge [sflag:s13], $0x2800  }
0xec: {  	[sflag:s13] =	ssyncset.done $0x0  }
0xed: {  	[sflag:s13] =	ssyncadd.s32 $0xFFFFD800  }
0xee: {  	[spmem:s4] =	stream.indirect.scatter.add.f32 [tilespmem:s11], [sflag:$0x7], $0x1, s30, s2, $0xb8;
	[tilespmem:$0x1E680] =	vst v63  }
0xef: {  	_ = 	snop  }
0xf0: {  	[spmem:s3] =	stream.indirect.scatter.add.f32 [tilespmem:s26], [sflag:$0x8], $0x80, s30, s2, $0xb8;
	[tilespmem:$0x1E680] =	vst v63  }
0xf1: {  	_ =	swait.ge [sflag:s28], $0x2800  }
0xf2: {  	[sflag:s28] =	ssyncset.done $0x0  }
0xf3: {  	[sflag:s28] =	ssyncadd.s32 $0xFFFFD800  }
0xf4: {  	_ =	swait.ge [sflag:s31], $0x50  }
0xf5: {  	[sflag:s31] =	ssyncset.done $0x0  }
0xf6: {  	[sflag:s31] =	ssyncadd.s32 $0xFFFFFFB0  }
0xf7: {  	[tilespmem:s30], [sflag:$0x5] =	stream.linear.gather [hbm4b:s19+s5], $0x50, $0x38;
	[tilespmem:$0x1E680] =	vst v63  }
0xf8: {  	s21 =	sadd.s32 $0x140, s21  }
0xf9: {  	[tilespmem:s26], [sflag:$0x2] =	stream.indirect.gather [hbm4b:s1+s2], $0x80, s21, s2, $0xb8;
	[tilespmem:$0x1E680] =	vst v63  }
0xfa: {  	_ =	swait.ge [sflag:s14], $0x50  }
0xfb: {  	[sflag:s14] =	ssyncset.done $0x0  }
0xfc: {  	[sflag:s14] =	ssyncadd.s32 $0xFFFFFFB0  }
0xfd: {  	_ =	swait.ge [sflag:s16], $0x2800  }
0xfe: {  	[sflag:s16] =	ssyncset.done $0x0  }
0xff: {  	[sflag:s16] =	ssyncadd.s32 $0xFFFFD800  }
0x100: {  	[spmem:s4] =	stream.indirect.scatter.add.f32 [tilespmem:s11], [sflag:$0x7], $0x1, s0, s2, $0xb8;
	[tilespmem:$0x1E680] =	vst v63  }
.Ltmp1:
0x101: {  	_ = 	snop;
	(pc) =	sbr.rel @p0 .LBB2_4-.Ltmp1, $4  }
0x102: {  	_ = 	snop  }
0x103: {  	[spmem:s3] =	stream.indirect.scatter.add.f32 [tilespmem:s8], [sflag:$0x8], $0x80, s0, s2, $0xb8;
	[tilespmem:$0x1E680] =	vst v63  }
0x104: {  	s24 =	sadd.s32 $0x1E, s24;
	_ =	swait.ge [sflag:s28], $0x2800  }
0x105: {  	s20 =	sadd.s32 $0xF0, s20;
	s19 =	sadd.s32 $0x1E, s19;
	[sflag:s28] =	ssyncset.done $0x0  }
0x106: {  	p0 =	seq.s32 s17, $0x0  }
0x107: {  	[sflag:s28] =	ssyncadd.s32 $0xFFFFD800;
	s15 =	simm.s32 @!p0 $0x7  }
0x108: {  	_ =	swait.ge @!p0 [sflag:s15], $0x50  }
0x109: {  	[sflag:s15] =	ssyncset.done @!p0 $0x0  }
0x10a: {  	s22 =	sshra.s32 s17, $0x2;
	[sflag:s15] =	ssyncadd.s32 @!p0 $0xFFFFFFB0  }
0x10b: {  	[tilespmem:s0], [sflag:$0x6] =	stream.linear.gather [hbm4b:s24+s5], $0x50, $0x38;
	[tilespmem:$0x1E680] =	vst v63  }
0x10c: {  	s17 =	sadd.s32 $0xA0, s22  }
0x10d: {  	[tilespmem:s8], [sflag:$0x3] =	stream.indirect.gather [hbm4b:s1+s2], $0x80, s17, s2, $0xb8;
	[tilespmem:$0x1E680] =	vst v63  }
0x10e: {  	_ =	swait.ge [sflag:s9], $0x50  }
0x10f: {  	[sflag:s9] =	ssyncset.done $0x0  }
0x110: {  	[sflag:s9] =	ssyncadd.s32 $0xFFFFFFB0  }
0x111: {  	_ =	swait.ge [sflag:s10], $0x2800  }
0x112: {  	[sflag:s10] =	ssyncset.done $0x0  }
0x113: {  	[sflag:s10] =	ssyncadd.s32 $0xFFFFD800  }
0x114: {  	[spmem:s4] =	stream.indirect.scatter.add.f32 [tilespmem:s11], [sflag:$0x7], $0x1, s29, s2, $0xb8;
	[tilespmem:$0x1E680] =	vst v63  }
0x115: {  	_ = 	snop  }
0x116: {  	[spmem:s3] =	stream.indirect.scatter.add.f32 [tilespmem:s25], [sflag:$0x8], $0x80, s29, s2, $0xb8;
	[tilespmem:$0x1E680] =	vst v63  }
0x117: {  	_ =	swait.ge [sflag:s28], $0x2800  }
0x118: {  	[sflag:s28] =	ssyncset.done $0x0  }
0x119: {  	[sflag:s28] =	ssyncadd.s32 $0xFFFFD800  }
0x11a: {  	_ =	swait.ge [sflag:s31], $0x50  }
0x11b: {  	s24 =	sshrl.u32 s20, $0x3;
	[sflag:s31] =	ssyncset.done $0x0  }
0x11c: {  	s17 =	sadd.s32 s6, s24;
	[sflag:s31] =	ssyncadd.s32 $0xFFFFFFB0  }
0x11d: {  	[tilespmem:s29], [sflag:$0x4] =	stream.linear.gather [hbm4b:s17+s5], $0x50, $0x38;
	[tilespmem:$0x1E680] =	vst v63  }
0x11e: {  	s20 =	sadd.s32 $0xF0, s22  }
0x11f: {  	[tilespmem:s25], [sflag:$0x1] =	stream.indirect.gather [hbm4b:s1+s2], $0x80, s20, s2, $0xb8;
	[tilespmem:$0x1E680] =	vst v63  }
0x120: {  	_ =	swait.ge [sflag:s12], $0x50  }
0x121: {  	[sflag:s12] =	ssyncset.done $0x0  }
0x122: {  	[sflag:s12] =	ssyncadd.s32 $0xFFFFFFB0  }
0x123: {  	_ =	swait.ge [sflag:s13], $0x2800  }
0x124: {  	[sflag:s13] =	ssyncset.done $0x0  }
0x125: {  	[sflag:s13] =	ssyncadd.s32 $0xFFFFD800  }
0x126: {  	[spmem:s4] =	stream.indirect.scatter.add.f32 [tilespmem:s11], [sflag:$0x7], $0x1, s30, s2, $0xb8;
	[tilespmem:$0x1E680] =	vst v63  }
0x127: {  	_ = 	snop  }
0x128: {  	[spmem:s3] =	stream.indirect.scatter.add.f32 [tilespmem:s26], [sflag:$0x8], $0x80, s30, s2, $0xb8;
	[tilespmem:$0x1E680] =	vst v63  }
0x129: {  	_ =	swait.ge [sflag:s28], $0x2800  }
0x12a: {  	[sflag:s28] =	ssyncset.done $0x0  }
0x12b: {  	[sflag:s28] =	ssyncadd.s32 $0xFFFFD800  }
0x12c: {  	_ =	swait.ge [sflag:s31], $0x50  }
0x12d: {  	[sflag:s31] =	ssyncset.done $0x0  }
0x12e: {  	[sflag:s31] =	ssyncadd.s32 $0xFFFFFFB0  }
0x12f: {  	[tilespmem:s30], [sflag:$0x5] =	stream.linear.gather [hbm4b:s19+s5], $0x50, $0x38;
	[tilespmem:$0x1E680] =	vst v63  }
0x130: {  	s15 =	sadd.s32 $0x140, s22  }
0x131: {  	[tilespmem:s26], [sflag:$0x2] =	stream.indirect.gather [hbm4b:s1+s2], $0x80, s15, s2, $0xb8;
	[tilespmem:$0x1E680] =	vst v63  }
0x132: {  	_ =	swait.ge [sflag:s14], $0x50  }
0x133: {  	[sflag:s14] =	ssyncset.done $0x0  }
0x134: {  	[sflag:s14] =	ssyncadd.s32 $0xFFFFFFB0  }
0x135: {  	_ =	swait.ge [sflag:s16], $0x2800  }
0x136: {  	[sflag:s16] =	ssyncset.done $0x0  }
0x137: {  	[sflag:s16] =	ssyncadd.s32 $0xFFFFD800  }
0x138: {  	[spmem:s4] =	stream.indirect.scatter.add.f32 [tilespmem:s11], [sflag:$0x7], $0x1, s0, s2, $0xb8;
	[tilespmem:$0x1E680] =	vst v63  }
0x139: {  	_ = 	snop  }
0x13a: {  	[spmem:s3] =	stream.indirect.scatter.add.f32 [tilespmem:s8], [sflag:$0x8], $0x80, s0, s2, $0xb8;
	[tilespmem:$0x1E680] =	vst v63  }
0x13b: {  	_ =	swait.ge [sflag:s28], $0x2800  }
0x13c: {  	[sflag:s28] =	ssyncset.done $0x0  }
0x13d: {  	[sflag:s28] =	ssyncadd.s32 $0xFFFFD800  }
0x13e: {  	_ =	swait.ge [sflag:s31], $0x50  }
0x13f: {  	[sflag:s31] =	ssyncset.done $0x0  }
0x140: {  	[sflag:s31] =	ssyncadd.s32 $0xFFFFFFB0  }
0x141: {  	_ =	swait.ge [sflag:s9], $0x50  }
0x142: {  	[sflag:s9] =	ssyncset.done $0x0  }
0x143: {  	[sflag:s9] =	ssyncadd.s32 $0xFFFFFFB0  }
0x144: {  	_ =	swait.ge [sflag:s10], $0x2800  }
0x145: {  	[sflag:s10] =	ssyncset.done $0x0  }
0x146: {  	[sflag:s10] =	ssyncadd.s32 $0xFFFFD800  }
0x147: {  	[spmem:s4] =	stream.indirect.scatter.add.f32 [tilespmem:s11], [sflag:$0x7], $0x1, s29, s2, $0xb8;
	[tilespmem:$0x1E680] =	vst v63  }
0x148: {  	_ = 	snop  }
0x149: {  	[spmem:s3] =	stream.indirect.scatter.add.f32 [tilespmem:s25], [sflag:$0x8], $0x80, s29, s2, $0xb8;
	[tilespmem:$0x1E680] =	vst v63  }
0x14a: {  	_ =	swait.ge [sflag:s28], $0x2800  }
0x14b: {  	[sflag:s28] =	ssyncset.done $0x0  }
0x14c: {  	[sflag:s28] =	ssyncadd.s32 $0xFFFFD800  }
0x14d: {  	_ =	swait.ge [sflag:s31], $0x50  }
0x14e: {  	[sflag:s31] =	ssyncset.done $0x0  }
0x14f: {  	[sflag:s31] =	ssyncadd.s32 $0xFFFFFFB0  }
0x150: {  	_ =	swait.ge [sflag:s12], $0x50  }
0x151: {  	[sflag:s12] =	ssyncset.done $0x0  }
0x152: {  	[sflag:s12] =	ssyncadd.s32 $0xFFFFFFB0  }
0x153: {  	_ =	swait.ge [sflag:s13], $0x2800  }
0x154: {  	[sflag:s13] =	ssyncset.done $0x0  }
0x155: {  	[sflag:s13] =	ssyncadd.s32 $0xFFFFD800  }
0x156: {  	[spmem:s4] =	stream.indirect.scatter.add.f32 [tilespmem:s11], [sflag:$0x7], $0x1, s30, s2, $0xb8;
	[tilespmem:$0x1E680] =	vst v63  }
0x157: {  	_ = 	snop  }
0x158: {  	[spmem:s3] =	stream.indirect.scatter.add.f32 [tilespmem:s26], [sflag:$0x8], $0x80, s30, s2, $0xb8;
	[tilespmem:$0x1E680] =	vst v63  }
0x159: {  	_ =	swait.ge [sflag:s28], $0x2800  }
0x15a: {  	[sflag:s28] =	ssyncset.done $0x0  }
0x15b: {  	[sflag:s28] =	ssyncadd.s32 $0xFFFFD800  }
0x15c: {  	_ =	swait.ge [sflag:s31], $0x50  }
0x15d: {  	[sflag:s31] =	ssyncset.done $0x0  }
0x15e: {  	s21 =	stileid.u32;
	[sflag:s31] =	ssyncadd.s32 $0xFFFFFFB0  }
0x15f: {  	s15 =	sshll.u32 s21, $0x6;
	[bflag:$0x0] =	sbarrier.arrive $0xFFFF  }
0x160: {  	s22 =	sshrl.u32 s7, $0x3;
	s15 =	sor.u32 $0x1C08, s15;
	s24 =	rddreg [dreg:$0xf]  }
0x161: {  	[hbm:s24], [sflag:s15] =	dma.local [spmem:s22], $0x2800  }
0x162: {  	s20 =	sshrl.u32 s23, $0x3;
	_ =	swait.ge [sflag:s28], $0x2800  }
0x163: {  	s19 =	smov.u32 s23;
	s21 =	simm.s32 $0x20;
	[sflag:s28] =	ssyncset.done $0x0  }
0x164: {  	s22 =	simm.s32 $0x10;
	s23 =	rddreg [dreg:$0x14];
	[sflag:s28] =	ssyncadd.s32 $0xFFFFD800  }
0x165: {  	[hbm:s23@s21], [sflag:s15] =	dma.strided [spmem:s20@s22], $0x50, s10, $0x10   }
0x166: {  	_ =	swait.ge [sflag:s28], $0x50  }
0x167: {  	s18 =	sadd.s32 $0x1, s18;
	s24 =	rddreg [dreg:$0x10]  }
0x168: {  	p0 =	sne.s32 s18, s24  }
.Ltmp2:
0x169: {  	_ = 	snop;
	(pc) =	sbr.rel @p0 .LBB2_1-.Ltmp2, $3  }
0x16a: {  	_ =	sdelay $0x1  }
0x16b: {  	[sflag:s28] =	ssyncset.done $0x0  }
0x16c: {  	[sflag:s28] =	ssyncadd.s32 $0xFFFFFFB0  }
0x16d: {  	_ =	sfence.sel $0x180000  }
0x16e: {  	[bflag:$0x0] =	sbarrier.arrive $0xFFFF  }
0x16f: {  	_ =	strace $0x90000047  }
0x170: {  	s0 =	stileid.u32;
	[bflag:$0x2] =	sbarrier.arrive $0xFFFF  }
0x171: {  	p0 =	sne.s32 s0, $0x0;
	s0 =	rddreg [dreg:$0x4]  }
0x172: {  	s0 =	sadd.s32 @!p0 $0x100000, s0  }
0x173: {  	[sflag:s0] =	ssyncadd.tile.s32 @!p0 $0x1;
	_ =	shalt  }
.Lfunc_end2:
_tile_overlayer_lowered:
.L_overlay_start_2:
0x174: {  	(tag) =	ssettag $0x2  }
0x175: {  	s0 =	rddreg [dreg:$0x0];
	s2 =	stileid.u32  }
0x176: {  	s1 =	rddreg [dreg:$0x1];
	p0 =	sne.s32 s2, $0x0  }
0x177: {  	s3 =	rddreg [dreg:$0x2];
	[bflag:$0x3] =	sbarrier.arrive $0xFFFF;
	s2 =	simm.s32 @!p0 $0x1C08  }
0x178: {  	[timem:s3], [sflag:s2] =	dma.local @!p0 [hbm:s0], s1  }
0x179: {  	s0 =	simm.s32 @!p0 $0x8  }
0x17a: {  	_ =	swait.ge @!p0 [sflag:s0], s1  }
0x17b: {  	s1 =	ssub.s32 @!p0 $0x0, s1;
	[sflag:s0] =	ssyncset.done @!p0 $0x0  }
0x17c: {  	[sflag:s0] =	ssyncadd.s32 @!p0 s1  }
0x17d: {  	[bflag:$0x3] =	sbarrier.arrive $0xFFFF  }
0x17e: {  	_ =	shalt  }

</sc_bundles>
